<compile_context>
chip_gen: v7x
topology: tpu7x:2x2x1
jax: 0.10.2.dev20260603
libtpu: 0.0.44.dev20260713+nightly
codegen_flags: <defaults>
</compile_context>

<pallas_src>
import functools

import jax
import jax.numpy as jnp
from jax import lax
from jax.experimental import pallas as pl
from jax.experimental.pallas import tpu as pltpu, tpu_sc as plsc

_B = 16384
_D = 64

_NC = 2
_NS = 16
_NW = _NC * _NS
_BPW = _B // _NW
_G = 16
_NG = _BPW // _G

_mesh = plsc.VectorSubcoreMesh(core_axis_name="c", subcore_axis_name="s")


@functools.partial(
    pl.kernel,
    mesh=_mesh,
    out_type=(
        jax.ShapeDtypeStruct((_B, _D), jnp.float32),
        jax.ShapeDtypeStruct((_B, _D), jnp.float32),
        jax.ShapeDtypeStruct((_B, _D), jnp.float32),
    ),
    scratch_types=[
        pltpu.VMEM((_BPW,), jnp.int32),
        pltpu.VMEM((_BPW,), jnp.int32),
        pltpu.VMEM((_BPW,), jnp.int32),
        pltpu.VMEM((_BPW, _D), jnp.float32),
        pltpu.SemaphoreType.DMA,
    ],
)
def _lookup(h_hbm, t_hbm, r_hbm, ent_hbm, rel_hbm,
            h_out, t_out, r_out,
            hi_v, ti_v, ri_v, stage_v, sem):
    wid = lax.axis_index("s") * _NC + lax.axis_index("c")
    base = wid * _BPW
    sl = pl.ds(base, _BPW)
    pltpu.sync_copy(h_hbm.at[sl], hi_v)
    pltpu.sync_copy(t_hbm.at[sl], ti_v)
    pltpu.sync_copy(r_hbm.at[sl], ri_v)

    def gather_one(idx_v, tbl, out):
        def body(g, carry):
            iv = idx_v[pl.ds(g * _G, _G)]
            for k in range(_G):
                row = g * _G + k
                pltpu.async_copy(tbl.at[pl.ds(iv[k], 1), :],
                                 stage_v.at[pl.ds(row, 1), :], sem)
            return carry

        lax.fori_loop(0, _NG, body, 0)

        def drain(i, carry):
            pltpu.make_async_copy(tbl.at[pl.ds(0, 1), :],
                                  stage_v.at[pl.ds(0, 1), :], sem).wait()
            return carry

        lax.fori_loop(0, _BPW, drain, 0)
        pltpu.sync_copy(stage_v, out.at[sl])

    gather_one(hi_v, ent_hbm, h_out)
    gather_one(ti_v, ent_hbm, t_out)
    gather_one(ri_v, rel_hbm, r_out)


def kernel(h, t, r, entity_table, relation_table):
    return _lookup(h.astype(jnp.int32), t.astype(jnp.int32),
                   r.astype(jnp.int32), entity_table, relation_table)

# --- scband reference (transcript-rebuilt; emitter-appended) ---
"""Pipeline reference for scband-lookup-encoder-27874337751323 (READ-ONLY COPY).

The authoritative reference and input builder live on the scoring server;
editing this copy changes nothing except your own understanding.
"""

import jax, jax.numpy as jnp
import numpy as np

N_ENTITIES = 1000000
ENTITY_DIM = 64
N_RELATIONS = 1000
RELATION_DIM = 64
BATCH = 16384


def setup_inputs(seed: int = 0) -> dict:
    key = jax.random.key(seed)
    k_h, k_t, k_r, k_e, k_rel = jax.random.split(key, 5)
    h = jax.random.randint(k_h, (BATCH,), 0, N_ENTITIES, dtype=jnp.int64 if jax.config.jax_enable_x64 else jnp.int32)
    t = jax.random.randint(k_t, (BATCH,), 0, N_ENTITIES, dtype=jnp.int64 if jax.config.jax_enable_x64 else jnp.int32)
    r = jax.random.randint(k_r, (BATCH,), 0, N_RELATIONS, dtype=jnp.int64 if jax.config.jax_enable_x64 else jnp.int32)
    entity_table = jax.random.normal(k_e, (N_ENTITIES, ENTITY_DIM), dtype=jnp.float32)
    relation_table = jax.random.normal(k_rel, (N_RELATIONS, RELATION_DIM), dtype=jnp.float32)
    return {"h": h, "t": t, "r": r, "entity_table": entity_table, "relation_table": relation_table}


def reference(h, t, r, entity_table, relation_table):
    # LookupEncoder.forward: three embedding lookups (gather rows)
    h_emb = jnp.take(entity_table, h, axis=0)
    t_emb = jnp.take(entity_table, t, axis=0)
    r_emb = jnp.take(relation_table, r, axis=0)
    return (h_emb, t_emb, r_emb)

if __name__ == "__main__":
    import jax
    _d = setup_inputs()
    print(jax.jit(kernel)(*tuple(_d.values())))

</pallas_src>

<mosaic_0001>
#map = affine_map<(d0, d1) -> (0)>
#map1 = affine_map<(d0, d1) -> (0, 0)>
module attributes {stable_mosaic.version = 14 : i64} {
  func.func @_lookup(%arg0: i32, %arg1: i32, %arg2: memref<16384xi32, #tpu.memory_space<hbm>>, %arg3: memref<16384xi32, #tpu.memory_space<hbm>>, %arg4: memref<16384xi32, #tpu.memory_space<hbm>>, %arg5: memref<1000000x64xf32, #tpu.memory_space<hbm>>, %arg6: memref<1000x64xf32, #tpu.memory_space<hbm>>, %arg7: memref<16384x64xf32, #tpu.memory_space<hbm>>, %arg8: memref<16384x64xf32, #tpu.memory_space<hbm>>, %arg9: memref<16384x64xf32, #tpu.memory_space<hbm>>, %arg10: memref<512xi32, #tpu.memory_space<vmem>>, %arg11: memref<512xi32, #tpu.memory_space<vmem>>, %arg12: memref<512xi32, #tpu.memory_space<vmem>>, %arg13: memref<512x64xf32, #tpu.memory_space<vmem>>, %arg14: memref<!tpu.dma_semaphore, #tpu.memory_space<semaphore_mem>>) attributes {dimension_semantics = [#tpu.dimension_semantics<core_parallel>, #tpu.dimension_semantics<subcore_parallel>], iteration_bounds = array<i64: 2, 16>, scalar_prefetch = 0 : i64, scratch_operands = 5 : i64, tpu.core_type = #tpu.core_type<sc_vector_subcore>, window_params = [{transform_indices = #map}, {transform_indices = #map}, {transform_indices = #map}, {transform_indices = #map1}, {transform_indices = #map1}, {transform_indices = #map1}, {transform_indices = #map1}, {transform_indices = #map1}]} {
    %mul3A = arith.constant 2 : i32
    %mul3A_0 = arith.muli %arg1, %mul3A : i32
    %add3A = arith.addi %mul3A_0, %arg0 : i32
    %mul3A_1 = arith.constant 512 : i32
    %mul3A_2 = arith.muli %add3A, %mul3A_1 : i32
    "tpu.region"() ({
      %run_scoped3A = tpu.sem_alloc : memref<!tpu.dma_semaphore, #tpu.memory_space<semaphore_mem>>
      %dma_start3A = tpu.memref_slice %arg2[%mul3A_2] : memref<16384xi32, #tpu.memory_space<hbm>> -> memref<512xi32, #tpu.memory_space<hbm>>
      %dma_start3A_38 = tpu.memref_slice %arg2[%mul3A_2] : memref<16384xi32, #tpu.memory_space<hbm>> -> memref<512xi32, #tpu.memory_space<hbm>>
      tpu.enqueue_dma source(%dma_start3A_38 : memref<512xi32, #tpu.memory_space<hbm>>) target(%arg10 : memref<512xi32, #tpu.memory_space<vmem>>) target_semaphore(%run_scoped3A : memref<!tpu.dma_semaphore, #tpu.memory_space<semaphore_mem>>)
      %dma_wait3A = tpu.memref_slice %arg2[%mul3A_2] : memref<16384xi32, #tpu.memory_space<hbm>> -> memref<512xi32, #tpu.memory_space<hbm>>
      %dma_wait3A_39 = tpu.memref_slice %arg2[%mul3A_2] : memref<16384xi32, #tpu.memory_space<hbm>> -> memref<512xi32, #tpu.memory_space<hbm>>
      tpu.wait_dma2 semaphore(%run_scoped3A : memref<!tpu.dma_semaphore, #tpu.memory_space<semaphore_mem>>) src(%dma_wait3A_39 : memref<512xi32, #tpu.memory_space<hbm>>) dst(%arg10 : memref<512xi32, #tpu.memory_space<vmem>>)
      tpu.yield
    }) : () -> ()
    "tpu.region"() ({
      %run_scoped3A = tpu.sem_alloc : memref<!tpu.dma_semaphore, #tpu.memory_space<semaphore_mem>>
      %dma_start3A = tpu.memref_slice %arg3[%mul3A_2] : memref<16384xi32, #tpu.memory_space<hbm>> -> memref<512xi32, #tpu.memory_space<hbm>>
      %dma_start3A_38 = tpu.memref_slice %arg3[%mul3A_2] : memref<16384xi32, #tpu.memory_space<hbm>> -> memref<512xi32, #tpu.memory_space<hbm>>
      tpu.enqueue_dma source(%dma_start3A_38 : memref<512xi32, #tpu.memory_space<hbm>>) target(%arg11 : memref<512xi32, #tpu.memory_space<vmem>>) target_semaphore(%run_scoped3A : memref<!tpu.dma_semaphore, #tpu.memory_space<semaphore_mem>>)
      %dma_wait3A = tpu.memref_slice %arg3[%mul3A_2] : memref<16384xi32, #tpu.memory_space<hbm>> -> memref<512xi32, #tpu.memory_space<hbm>>
      %dma_wait3A_39 = tpu.memref_slice %arg3[%mul3A_2] : memref<16384xi32, #tpu.memory_space<hbm>> -> memref<512xi32, #tpu.memory_space<hbm>>
      tpu.wait_dma2 semaphore(%run_scoped3A : memref<!tpu.dma_semaphore, #tpu.memory_space<semaphore_mem>>) src(%dma_wait3A_39 : memref<512xi32, #tpu.memory_space<hbm>>) dst(%arg11 : memref<512xi32, #tpu.memory_space<vmem>>)
      tpu.yield
    }) : () -> ()
    "tpu.region"() ({
      %run_scoped3A = tpu.sem_alloc : memref<!tpu.dma_semaphore, #tpu.memory_space<semaphore_mem>>
      %dma_start3A = tpu.memref_slice %arg4[%mul3A_2] : memref<16384xi32, #tpu.memory_space<hbm>> -> memref<512xi32, #tpu.memory_space<hbm>>
      %dma_start3A_38 = tpu.memref_slice %arg4[%mul3A_2] : memref<16384xi32, #tpu.memory_space<hbm>> -> memref<512xi32, #tpu.memory_space<hbm>>
      tpu.enqueue_dma source(%dma_start3A_38 : memref<512xi32, #tpu.memory_space<hbm>>) target(%arg12 : memref<512xi32, #tpu.memory_space<vmem>>) target_semaphore(%run_scoped3A : memref<!tpu.dma_semaphore, #tpu.memory_space<semaphore_mem>>)
      %dma_wait3A = tpu.memref_slice %arg4[%mul3A_2] : memref<16384xi32, #tpu.memory_space<hbm>> -> memref<512xi32, #tpu.memory_space<hbm>>
      %dma_wait3A_39 = tpu.memref_slice %arg4[%mul3A_2] : memref<16384xi32, #tpu.memory_space<hbm>> -> memref<512xi32, #tpu.memory_space<hbm>>
      tpu.wait_dma2 semaphore(%run_scoped3A : memref<!tpu.dma_semaphore, #tpu.memory_space<semaphore_mem>>) src(%dma_wait3A_39 : memref<512xi32, #tpu.memory_space<hbm>>) dst(%arg12 : memref<512xi32, #tpu.memory_space<vmem>>)
      tpu.yield
    }) : () -> ()
    %scan3A = arith.constant 0 : i32
    %scan3A_3 = arith.constant 0 : i32
    %scan3A_4 = arith.constant 32 : i32
    %scan3A_5 = arith.addi %scan3A_3, %scan3A_4 : i32
    %scan3A_6 = arith.constant 1 : i32
    scf.for %scan3A_38 = %scan3A_3 to %scan3A_5 step %scan3A_6  : i32 {
      %mul3A_39 = arith.constant 16 : i32
      %mul3A_40 = arith.muli %scan3A_38, %mul3A_39 : i32
      %get3A = arith.index_cast %mul3A_40 : i32 to index
      %get3A_41 = tpu.vector_load %arg10[%get3A] {strides = array<i32>} : memref<512xi32, #tpu.memory_space<vmem>>, vector<16xi32>,
      %get3A_42 = vector.shape_cast %get3A_41 : vector<16xi32> to vector<16xi32>
      %mul3A_43 = arith.constant 16 : i32
      %mul3A_44 = arith.muli %scan3A_38, %mul3A_43 : i32
      %add3A_45 = arith.constant 0 : i32
      %add3A_46 = arith.addi %mul3A_44, %add3A_45 : i32
      %slice3A = vector.extract_strided_slice %get3A_42 {offsets = [0], sizes = [1], strides = [1]} : vector<16xi32> to vector<1xi32>
      %squeeze3A = vector.extract %slice3A[0] : i32 from vector<1xi32>
      %dma_start3A = arith.constant 0 : i32
      %dma_start3A_47 = tpu.memref_slice %arg13[%add3A_46, %dma_start3A] : memref<512x64xf32, #tpu.memory_space<vmem>> -> memref<1x64xf32, #tpu.memory_space<vmem>>
      %dma_start3A_48 = arith.constant 0 : i32
      %dma_start3A_49 = tpu.memref_slice %arg5[%squeeze3A, %dma_start3A_48] : memref<1000000x64xf32, #tpu.memory_space<hbm>> -> memref<1x64xf32, #tpu.memory_space<hbm>>
      %dma_start3A_50 = arith.constant 0 : i32
      %dma_start3A_51 = tpu.memref_slice %arg13[%add3A_46, %dma_start3A_50] : memref<512x64xf32, #tpu.memory_space<vmem>> -> memref<1x64xf32, #tpu.memory_space<vmem>>
      %dma_start3A_52 = arith.constant 0 : i32
      %dma_start3A_53 = tpu.memref_slice %arg5[%squeeze3A, %dma_start3A_52] : memref<1000000x64xf32, #tpu.memory_space<hbm>> -> memref<1x64xf32, #tpu.memory_space<hbm>>
      tpu.enqueue_dma source(%dma_start3A_53 : memref<1x64xf32, #tpu.memory_space<hbm>>) target(%dma_start3A_51 : memref<1x64xf32, #tpu.memory_space<vmem>>) target_semaphore(%arg14 : memref<!tpu.dma_semaphore, #tpu.memory_space<semaphore_mem>>)
      %mul3A_54 = arith.constant 16 : i32
      %mul3A_55 = arith.muli %scan3A_38, %mul3A_54 : i32
      %add3A_56 = arith.constant 1 : i32
      %add3A_57 = arith.addi %mul3A_55, %add3A_56 : i32
      %slice3A_58 = vector.extract_strided_slice %get3A_42 {offsets = [1], sizes = [1], strides = [1]} : vector<16xi32> to vector<1xi32>
      %squeeze3A_59 = vector.extract %slice3A_58[0] : i32 from vector<1xi32>
      %dma_start3A_60 = arith.constant 0 : i32
      %dma_start3A_61 = tpu.memref_slice %arg13[%add3A_57, %dma_start3A_60] : memref<512x64xf32, #tpu.memory_space<vmem>> -> memref<1x64xf32, #tpu.memory_space<vmem>>
      %dma_start3A_62 = arith.constant 0 : i32
      %dma_start3A_63 = tpu.memref_slice %arg5[%squeeze3A_59, %dma_start3A_62] : memref<1000000x64xf32, #tpu.memory_space<hbm>> -> memref<1x64xf32, #tpu.memory_space<hbm>>
      %dma_start3A_64 = arith.constant 0 : i32
      %dma_start3A_65 = tpu.memref_slice %arg13[%add3A_57, %dma_start3A_64] : memref<512x64xf32, #tpu.memory_space<vmem>> -> memref<1x64xf32, #tpu.memory_space<vmem>>
      %dma_start3A_66 = arith.constant 0 : i32
      %dma_start3A_67 = tpu.memref_slice %arg5[%squeeze3A_59, %dma_start3A_66] : memref<1000000x64xf32, #tpu.memory_space<hbm>> -> memref<1x64xf32, #tpu.memory_space<hbm>>
      tpu.enqueue_dma source(%dma_start3A_67 : memref<1x64xf32, #tpu.memory_space<hbm>>) target(%dma_start3A_65 : memref<1x64xf32, #tpu.memory_space<vmem>>) target_semaphore(%arg14 : memref<!tpu.dma_semaphore, #tpu.memory_space<semaphore_mem>>)
      %mul3A_68 = arith.constant 16 : i32
      %mul3A_69 = arith.muli %scan3A_38, %mul3A_68 : i32
      %add3A_70 = arith.constant 2 : i32
      %add3A_71 = arith.addi %mul3A_69, %add3A_70 : i32
      %slice3A_72 = vector.extract_strided_slice %get3A_42 {offsets = [2], sizes = [1], strides = [1]} : vector<16xi32> to vector<1xi32>
      %squeeze3A_73 = vector.extract %slice3A_72[0] : i32 from vector<1xi32>
      %dma_start3A_74 = arith.constant 0 : i32
      %dma_start3A_75 = tpu.memref_slice %arg13[%add3A_71, %dma_start3A_74] : memref<512x64xf32, #tpu.memory_space<vmem>> -> memref<1x64xf32, #tpu.memory_space<vmem>>
      %dma_start3A_76 = arith.constant 0 : i32
      %dma_start3A_77 = tpu.memref_slice %arg5[%squeeze3A_73, %dma_start3A_76] : memref<1000000x64xf32, #tpu.memory_space<hbm>> -> memref<1x64xf32, #tpu.memory_space<hbm>>
      %dma_start3A_78 = arith.constant 0 : i32
      %dma_start3A_79 = tpu.memref_slice %arg13[%add3A_71, %dma_start3A_78] : memref<512x64xf32, #tpu.memory_space<vmem>> -> memref<1x64xf32, #tpu.memory_space<vmem>>
      %dma_start3A_80 = arith.constant 0 : i32
      %dma_start3A_81 = tpu.memref_slice %arg5[%squeeze3A_73, %dma_start3A_80] : memref<1000000x64xf32, #tpu.memory_space<hbm>> -> memref<1x64xf32, #tpu.memory_space<hbm>>
      tpu.enqueue_dma source(%dma_start3A_81 : memref<1x64xf32, #tpu.memory_space<hbm>>) target(%dma_start3A_79 : memref<1x64xf32, #tpu.memory_space<vmem>>) target_semaphore(%arg14 : memref<!tpu.dma_semaphore, #tpu.memory_space<semaphore_mem>>)
      %mul3A_82 = arith.constant 16 : i32
      %mul3A_83 = arith.muli %scan3A_38, %mul3A_82 : i32
      %add3A_84 = arith.constant 3 : i32
      %add3A_85 = arith.addi %mul3A_83, %add3A_84 : i32
      %slice3A_86 = vector.extract_strided_slice %get3A_42 {offsets = [3], sizes = [1], strides = [1]} : vector<16xi32> to vector<1xi32>
      %squeeze3A_87 = vector.extract %slice3A_86[0] : i32 from vector<1xi32>
      %dma_start3A_88 = arith.constant 0 : i32
      %dma_start3A_89 = tpu.memref_slice %arg13[%add3A_85, %dma_start3A_88] : memref<512x64xf32, #tpu.memory_space<vmem>> -> memref<1x64xf32, #tpu.memory_space<vmem>>
      %dma_start3A_90 = arith.constant 0 : i32
      %dma_start3A_91 = tpu.memref_slice %arg5[%squeeze3A_87, %dma_start3A_90] : memref<1000000x64xf32, #tpu.memory_space<hbm>> -> memref<1x64xf32, #tpu.memory_space<hbm>>
      %dma_start3A_92 = arith.constant 0 : i32
      %dma_start3A_93 = tpu.memref_slice %arg13[%add3A_85, %dma_start3A_92] : memref<512x64xf32, #tpu.memory_space<vmem>> -> memref<1x64xf32, #tpu.memory_space<vmem>>
      %dma_start3A_94 = arith.constant 0 : i32
      %dma_start3A_95 = tpu.memref_slice %arg5[%squeeze3A_87, %dma_start3A_94] : memref<1000000x64xf32, #tpu.memory_space<hbm>> -> memref<1x64xf32, #tpu.memory_space<hbm>>
      tpu.enqueue_dma source(%dma_start3A_95 : memref<1x64xf32, #tpu.memory_space<hbm>>) target(%dma_start3A_93 : memref<1x64xf32, #tpu.memory_space<vmem>>) target_semaphore(%arg14 : memref<!tpu.dma_semaphore, #tpu.memory_space<semaphore_mem>>)
      %mul3A_96 = arith.constant 16 : i32
      %mul3A_97 = arith.muli %scan3A_38, %mul3A_96 : i32
      %add3A_98 = arith.constant 4 : i32
      %add3A_99 = arith.addi %mul3A_97, %add3A_98 : i32
      %slice3A_100 = vector.extract_strided_slice %get3A_42 {offsets = [4], sizes = [1], strides = [1]} : vector<16xi32> to vector<1xi32>
      %squeeze3A_101 = vector.extract %slice3A_100[0] : i32 from vector<1xi32>
      %dma_start3A_102 = arith.constant 0 : i32
      %dma_start3A_103 = tpu.memref_slice %arg13[%add3A_99, %dma_start3A_102] : memref<512x64xf32, #tpu.memory_space<vmem>> -> memref<1x64xf32, #tpu.memory_space<vmem>>
      %dma_start3A_104 = arith.constant 0 : i32
      %dma_start3A_105 = tpu.memref_slice %arg5[%squeeze3A_101, %dma_start3A_104] : memref<1000000x64xf32, #tpu.memory_space<hbm>> -> memref<1x64xf32, #tpu.memory_space<hbm>>
      %dma_start3A_106 = arith.constant 0 : i32
      %dma_start3A_107 = tpu.memref_slice %arg13[%add3A_99, %dma_start3A_106] : memref<512x64xf32, #tpu.memory_space<vmem>> -> memref<1x64xf32, #tpu.memory_space<vmem>>
      %dma_start3A_108 = arith.constant 0 : i32
      %dma_start3A_109 = tpu.memref_slice %arg5[%squeeze3A_101, %dma_start3A_108] : memref<1000000x64xf32, #tpu.memory_space<hbm>> -> memref<1x64xf32, #tpu.memory_space<hbm>>
      tpu.enqueue_dma source(%dma_start3A_109 : memref<1x64xf32, #tpu.memory_space<hbm>>) target(%dma_start3A_107 : memref<1x64xf32, #tpu.memory_space<vmem>>) target_semaphore(%arg14 : memref<!tpu.dma_semaphore, #tpu.memory_space<semaphore_mem>>)
      %mul3A_110 = arith.constant 16 : i32
      %mul3A_111 = arith.muli %scan3A_38, %mul3A_110 : i32
      %add3A_112 = arith.constant 5 : i32
      %add3A_113 = arith.addi %mul3A_111, %add3A_112 : i32
      %slice3A_114 = vector.extract_strided_slice %get3A_42 {offsets = [5], sizes = [1], strides = [1]} : vector<16xi32> to vector<1xi32>
      %squeeze3A_115 = vector.extract %slice3A_114[0] : i32 from vector<1xi32>
      %dma_start3A_116 = arith.constant 0 : i32
      %dma_start3A_117 = tpu.memref_slice %arg13[%add3A_113, %dma_start3A_116] : memref<512x64xf32, #tpu.memory_space<vmem>> -> memref<1x64xf32, #tpu.memory_space<vmem>>
      %dma_start3A_118 = arith.constant 0 : i32
      %dma_start3A_119 = tpu.memref_slice %arg5[%squeeze3A_115, %dma_start3A_118] : memref<1000000x64xf32, #tpu.memory_space<hbm>> -> memref<1x64xf32, #tpu.memory_space<hbm>>
      %dma_start3A_120 = arith.constant 0 : i32
      %dma_start3A_121 = tpu.memref_slice %arg13[%add3A_113, %dma_start3A_120] : memref<512x64xf32, #tpu.memory_space<vmem>> -> memref<1x64xf32, #tpu.memory_space<vmem>>
      %dma_start3A_122 = arith.constant 0 : i32
      %dma_start3A_123 = tpu.memref_slice %arg5[%squeeze3A_115, %dma_start3A_122] : memref<1000000x64xf32, #tpu.memory_space<hbm>> -> memref<1x64xf32, #tpu.memory_space<hbm>>
      tpu.enqueue_dma source(%dma_start3A_123 : memref<1x64xf32, #tpu.memory_space<hbm>>) target(%dma_start3A_121 : memref<1x64xf32, #tpu.memory_space<vmem>>) target_semaphore(%arg14 : memref<!tpu.dma_semaphore, #tpu.memory_space<semaphore_mem>>)
      %mul3A_124 = arith.constant 16 : i32
      %mul3A_125 = arith.muli %scan3A_38, %mul3A_124 : i32
      %add3A_126 = arith.constant 6 : i32
      %add3A_127 = arith.addi %mul3A_125, %add3A_126 : i32
      %slice3A_128 = vector.extract_strided_slice %get3A_42 {offsets = [6], sizes = [1], strides = [1]} : vector<16xi32> to vector<1xi32>
      %squeeze3A_129 = vector.extract %slice3A_128[0] : i32 from vector<1xi32>
      %dma_start3A_130 = arith.constant 0 : i32
      %dma_start3A_131 = tpu.memref_slice %arg13[%add3A_127, %dma_start3A_130] : memref<512x64xf32, #tpu.memory_space<vmem>> -> memref<1x64xf32, #tpu.memory_space<vmem>>
      %dma_start3A_132 = arith.constant 0 : i32
      %dma_start3A_133 = tpu.memref_slice %arg5[%squeeze3A_129, %dma_start3A_132] : memref<1000000x64xf32, #tpu.memory_space<hbm>> -> memref<1x64xf32, #tpu.memory_space<hbm>>
      %dma_start3A_134 = arith.constant 0 : i32
      %dma_start3A_135 = tpu.memref_slice %arg13[%add3A_127, %dma_start3A_134] : memref<512x64xf32, #tpu.memory_space<vmem>> -> memref<1x64xf32, #tpu.memory_space<vmem>>
      %dma_start3A_136 = arith.constant 0 : i32
      %dma_start3A_137 = tpu.memref_slice %arg5[%squeeze3A_129, %dma_start3A_136] : memref<1000000x64xf32, #tpu.memory_space<hbm>> -> memref<1x64xf32, #tpu.memory_space<hbm>>
      tpu.enqueue_dma source(%dma_start3A_137 : memref<1x64xf32, #tpu.memory_space<hbm>>) target(%dma_start3A_135 : memref<1x64xf32, #tpu.memory_space<vmem>>) target_semaphore(%arg14 : memref<!tpu.dma_semaphore, #tpu.memory_space<semaphore_mem>>)
      %mul3A_138 = arith.constant 16 : i32
      %mul3A_139 = arith.muli %scan3A_38, %mul3A_138 : i32
      %add3A_140 = arith.constant 7 : i32
      %add3A_141 = arith.addi %mul3A_139, %add3A_140 : i32
      %slice3A_142 = vector.extract_strided_slice %get3A_42 {offsets = [7], sizes = [1], strides = [1]} : vector<16xi32> to vector<1xi32>
      %squeeze3A_143 = vector.extract %slice3A_142[0] : i32 from vector<1xi32>
      %dma_start3A_144 = arith.constant 0 : i32
      %dma_start3A_145 = tpu.memref_slice %arg13[%add3A_141, %dma_start3A_144] : memref<512x64xf32, #tpu.memory_space<vmem>> -> memref<1x64xf32, #tpu.memory_space<vmem>>
      %dma_start3A_146 = arith.constant 0 : i32
      %dma_start3A_147 = tpu.memref_slice %arg5[%squeeze3A_143, %dma_start3A_146] : memref<1000000x64xf32, #tpu.memory_space<hbm>> -> memref<1x64xf32, #tpu.memory_space<hbm>>
      %dma_start3A_148 = arith.constant 0 : i32
      %dma_start3A_149 = tpu.memref_slice %arg13[%add3A_141, %dma_start3A_148] : memref<512x64xf32, #tpu.memory_space<vmem>> -> memref<1x64xf32, #tpu.memory_space<vmem>>
      %dma_start3A_150 = arith.constant 0 : i32
      %dma_start3A_151 = tpu.memref_slice %arg5[%squeeze3A_143, %dma_start3A_150] : memref<1000000x64xf32, #tpu.memory_space<hbm>> -> memref<1x64xf32, #tpu.memory_space<hbm>>
      tpu.enqueue_dma source(%dma_start3A_151 : memref<1x64xf32, #tpu.memory_space<hbm>>) target(%dma_start3A_149 : memref<1x64xf32, #tpu.memory_space<vmem>>) target_semaphore(%arg14 : memref<!tpu.dma_semaphore, #tpu.memory_space<semaphore_mem>>)
      %mul3A_152 = arith.constant 16 : i32
      %mul3A_153 = arith.muli %scan3A_38, %mul3A_152 : i32
      %add3A_154 = arith.constant 8 : i32
      %add3A_155 = arith.addi %mul3A_153, %add3A_154 : i32
      %slice3A_156 = vector.extract_strided_slice %get3A_42 {offsets = [8], sizes = [1], strides = [1]} : vector<16xi32> to vector<1xi32>
      %squeeze3A_157 = vector.extract %slice3A_156[0] : i32 from vector<1xi32>
      %dma_start3A_158 = arith.constant 0 : i32
      %dma_start3A_159 = tpu.memref_slice %arg13[%add3A_155, %dma_start3A_158] : memref<512x64xf32, #tpu.memory_space<vmem>> -> memref<1x64xf32, #tpu.memory_space<vmem>>
      %dma_start3A_160 = arith.constant 0 : i32
      %dma_start3A_161 = tpu.memref_slice %arg5[%squeeze3A_157, %dma_start3A_160] : memref<1000000x64xf32, #tpu.memory_space<hbm>> -> memref<1x64xf32, #tpu.memory_space<hbm>>
      %dma_start3A_162 = arith.constant 0 : i32
      %dma_start3A_163 = tpu.memref_slice %arg13[%add3A_155, %dma_start3A_162] : memref<512x64xf32, #tpu.memory_space<vmem>> -> memref<1x64xf32, #tpu.memory_space<vmem>>
      %dma_start3A_164 = arith.constant 0 : i32
      %dma_start3A_165 = tpu.memref_slice %arg5[%squeeze3A_157, %dma_start3A_164] : memref<1000000x64xf32, #tpu.memory_space<hbm>> -> memref<1x64xf32, #tpu.memory_space<hbm>>
      tpu.enqueue_dma source(%dma_start3A_165 : memref<1x64xf32, #tpu.memory_space<hbm>>) target(%dma_start3A_163 : memref<1x64xf32, #tpu.memory_space<vmem>>) target_semaphore(%arg14 : memref<!tpu.dma_semaphore, #tpu.memory_space<semaphore_mem>>)
      %mul3A_166 = arith.constant 16 : i32
      %mul3A_167 = arith.muli %scan3A_38, %mul3A_166 : i32
      %add3A_168 = arith.constant 9 : i32
      %add3A_169 = arith.addi %mul3A_167, %add3A_168 : i32
      %slice3A_170 = vector.extract_strided_slice %get3A_42 {offsets = [9], sizes = [1], strides = [1]} : vector<16xi32> to vector<1xi32>
      %squeeze3A_171 = vector.extract %slice3A_170[0] : i32 from vector<1xi32>
      %dma_start3A_172 = arith.constant 0 : i32
      %dma_start3A_173 = tpu.memref_slice %arg13[%add3A_169, %dma_start3A_172] : memref<512x64xf32, #tpu.memory_space<vmem>> -> memref<1x64xf32, #tpu.memory_space<vmem>>
      %dma_start3A_174 = arith.constant 0 : i32
      %dma_start3A_175 = tpu.memref_slice %arg5[%squeeze3A_171, %dma_start3A_174] : memref<1000000x64xf32, #tpu.memory_space<hbm>> -> memref<1x64xf32, #tpu.memory_space<hbm>>
      %dma_start3A_176 = arith.constant 0 : i32
      %dma_start3A_177 = tpu.memref_slice %arg13[%add3A_169, %dma_start3A_176] : memref<512x64xf32, #tpu.memory_space<vmem>> -> memref<1x64xf32, #tpu.memory_space<vmem>>
      %dma_start3A_178 = arith.constant 0 : i32
      %dma_start3A_179 = tpu.memref_slice %arg5[%squeeze3A_171, %dma_start3A_178] : memref<1000000x64xf32, #tpu.memory_space<hbm>> -> memref<1x64xf32, #tpu.memory_space<hbm>>
      tpu.enqueue_dma source(%dma_start3A_179 : memref<1x64xf32, #tpu.memory_space<hbm>>) target(%dma_start3A_177 : memref<1x64xf32, #tpu.memory_space<vmem>>) target_semaphore(%arg14 : memref<!tpu.dma_semaphore, #tpu.memory_space<semaphore_mem>>)
      %mul3A_180 = arith.constant 16 : i32
      %mul3A_181 = arith.muli %scan3A_38, %mul3A_180 : i32
      %add3A_182 = arith.constant 10 : i32
      %add3A_183 = arith.addi %mul3A_181, %add3A_182 : i32
      %slice3A_184 = vector.extract_strided_slice %get3A_42 {offsets = [10], sizes = [1], strides = [1]} : vector<16xi32> to vector<1xi32>
      %squeeze3A_185 = vector.extract %slice3A_184[0] : i32 from vector<1xi32>
      %dma_start3A_186 = arith.constant 0 : i32
      %dma_start3A_187 = tpu.memref_slice %arg13[%add3A_183, %dma_start3A_186] : memref<512x64xf32, #tpu.memory_space<vmem>> -> memref<1x64xf32, #tpu.memory_space<vmem>>
      %dma_start3A_188 = arith.constant 0 : i32
      %dma_start3A_189 = tpu.memref_slice %arg5[%squeeze3A_185, %dma_start3A_188] : memref<1000000x64xf32, #tpu.memory_space<hbm>> -> memref<1x64xf32, #tpu.memory_space<hbm>>
      %dma_start3A_190 = arith.constant 0 : i32
      %dma_start3A_191 = tpu.memref_slice %arg13[%add3A_183, %dma_start3A_190] : memref<512x64xf32, #tpu.memory_space<vmem>> -> memref<1x64xf32, #tpu.memory_space<vmem>>
      %dma_start3A_192 = arith.constant 0 : i32
      %dma_start3A_193 = tpu.memref_slice %arg5[%squeeze3A_185, %dma_start3A_192] : memref<1000000x64xf32, #tpu.memory_space<hbm>> -> memref<1x64xf32, #tpu.memory_space<hbm>>
      tpu.enqueue_dma source(%dma_start3A_193 : memref<1x64xf32, #tpu.memory_space<hbm>>) target(%dma_start3A_191 : memref<1x64xf32, #tpu.memory_space<vmem>>) target_semaphore(%arg14 : memref<!tpu.dma_semaphore, #tpu.memory_space<semaphore_mem>>)
      %mul3A_194 = arith.constant 16 : i32
      %mul3A_195 = arith.muli %scan3A_38, %mul3A_194 : i32
      %add3A_196 = arith.constant 11 : i32
      %add3A_197 = arith.addi %mul3A_195, %add3A_196 : i32
      %slice3A_198 = vector.extract_strided_slice %get3A_42 {offsets = [11], sizes = [1], strides = [1]} : vector<16xi32> to vector<1xi32>
      %squeeze3A_199 = vector.extract %slice3A_198[0] : i32 from vector<1xi32>
      %dma_start3A_200 = arith.constant 0 : i32
      %dma_start3A_201 = tpu.memref_slice %arg13[%add3A_197, %dma_start3A_200] : memref<512x64xf32, #tpu.memory_space<vmem>> -> memref<1x64xf32, #tpu.memory_space<vmem>>
      %dma_start3A_202 = arith.constant 0 : i32
      %dma_start3A_203 = tpu.memref_slice %arg5[%squeeze3A_199, %dma_start3A_202] : memref<1000000x64xf32, #tpu.memory_space<hbm>> -> memref<1x64xf32, #tpu.memory_space<hbm>>
      %dma_start3A_204 = arith.constant 0 : i32
      %dma_start3A_205 = tpu.memref_slice %arg13[%add3A_197, %dma_start3A_204] : memref<512x64xf32, #tpu.memory_space<vmem>> -> memref<1x64xf32, #tpu.memory_space<vmem>>
      %dma_start3A_206 = arith.constant 0 : i32
      %dma_start3A_207 = tpu.memref_slice %arg5[%squeeze3A_199, %dma_start3A_206] : memref<1000000x64xf32, #tpu.memory_space<hbm>> -> memref<1x64xf32, #tpu.memory_space<hbm>>
      tpu.enqueue_dma source(%dma_start3A_207 : memref<1x64xf32, #tpu.memory_space<hbm>>) target(%dma_start3A_205 : memref<1x64xf32, #tpu.memory_space<vmem>>) target_semaphore(%arg14 : memref<!tpu.dma_semaphore, #tpu.memory_space<semaphore_mem>>)
      %mul3A_208 = arith.constant 16 : i32
      %mul3A_209 = arith.muli %scan3A_38, %mul3A_208 : i32
      %add3A_210 = arith.constant 12 : i32
      %add3A_211 = arith.addi %mul3A_209, %add3A_210 : i32
      %slice3A_212 = vector.extract_strided_slice %get3A_42 {offsets = [12], sizes = [1], strides = [1]} : vector<16xi32> to vector<1xi32>
      %squeeze3A_213 = vector.extract %slice3A_212[0] : i32 from vector<1xi32>
      %dma_start3A_214 = arith.constant 0 : i32
      %dma_start3A_215 = tpu.memref_slice %arg13[%add3A_211, %dma_start3A_214] : memref<512x64xf32, #tpu.memory_space<vmem>> -> memref<1x64xf32, #tpu.memory_space<vmem>>
      %dma_start3A_216 = arith.constant 0 : i32
      %dma_start3A_217 = tpu.memref_slice %arg5[%squeeze3A_213, %dma_start3A_216] : memref<1000000x64xf32, #tpu.memory_space<hbm>> -> memref<1x64xf32, #tpu.memory_space<hbm>>
      %dma_start3A_218 = arith.constant 0 : i32
      %dma_start3A_219 = tpu.memref_slice %arg13[%add3A_211, %dma_start3A_218] : memref<512x64xf32, #tpu.memory_space<vmem>> -> memref<1x64xf32, #tpu.memory_space<vmem>>
      %dma_start3A_220 = arith.constant 0 : i32
      %dma_start3A_221 = tpu.memref_slice %arg5[%squeeze3A_213, %dma_start3A_220] : memref<1000000x64xf32, #tpu.memory_space<hbm>> -> memref<1x64xf32, #tpu.memory_space<hbm>>
      tpu.enqueue_dma source(%dma_start3A_221 : memref<1x64xf32, #tpu.memory_space<hbm>>) target(%dma_start3A_219 : memref<1x64xf32, #tpu.memory_space<vmem>>) target_semaphore(%arg14 : memref<!tpu.dma_semaphore, #tpu.memory_space<semaphore_mem>>)
      %mul3A_222 = arith.constant 16 : i32
      %mul3A_223 = arith.muli %scan3A_38, %mul3A_222 : i32
      %add3A_224 = arith.constant 13 : i32
      %add3A_225 = arith.addi %mul3A_223, %add3A_224 : i32
      %slice3A_226 = vector.extract_strided_slice %get3A_42 {offsets = [13], sizes = [1], strides = [1]} : vector<16xi32> to vector<1xi32>
      %squeeze3A_227 = vector.extract %slice3A_226[0] : i32 from vector<1xi32>
      %dma_start3A_228 = arith.constant 0 : i32
      %dma_start3A_229 = tpu.memref_slice %arg13[%add3A_225, %dma_start3A_228] : memref<512x64xf32, #tpu.memory_space<vmem>> -> memref<1x64xf32, #tpu.memory_space<vmem>>
      %dma_start3A_230 = arith.constant 0 : i32
      %dma_start3A_231 = tpu.memref_slice %arg5[%squeeze3A_227, %dma_start3A_230] : memref<1000000x64xf32, #tpu.memory_space<hbm>> -> memref<1x64xf32, #tpu.memory_space<hbm>>
      %dma_start3A_232 = arith.constant 0 : i32
      %dma_start3A_233 = tpu.memref_slice %arg13[%add3A_225, %dma_start3A_232] : memref<512x64xf32, #tpu.memory_space<vmem>> -> memref<1x64xf32, #tpu.memory_space<vmem>>
      %dma_start3A_234 = arith.constant 0 : i32
      %dma_start3A_235 = tpu.memref_slice %arg5[%squeeze3A_227, %dma_start3A_234] : memref<1000000x64xf32, #tpu.memory_space<hbm>> -> memref<1x64xf32, #tpu.memory_space<hbm>>
      tpu.enqueue_dma source(%dma_start3A_235 : memref<1x64xf32, #tpu.memory_space<hbm>>) target(%dma_start3A_233 : memref<1x64xf32, #tpu.memory_space<vmem>>) target_semaphore(%arg14 : memref<!tpu.dma_semaphore, #tpu.memory_space<semaphore_mem>>)
      %mul3A_236 = arith.constant 16 : i32
      %mul3A_237 = arith.muli %scan3A_38, %mul3A_236 : i32
      %add3A_238 = arith.constant 14 : i32
      %add3A_239 = arith.addi %mul3A_237, %add3A_238 : i32
      %slice3A_240 = vector.extract_strided_slice %get3A_42 {offsets = [14], sizes = [1], strides = [1]} : vector<16xi32> to vector<1xi32>
      %squeeze3A_241 = vector.extract %slice3A_240[0] : i32 from vector<1xi32>
      %dma_start3A_242 = arith.constant 0 : i32
      %dma_start3A_243 = tpu.memref_slice %arg13[%add3A_239, %dma_start3A_242] : memref<512x64xf32, #tpu.memory_space<vmem>> -> memref<1x64xf32, #tpu.memory_space<vmem>>
      %dma_start3A_244 = arith.constant 0 : i32
      %dma_start3A_245 = tpu.memref_slice %arg5[%squeeze3A_241, %dma_start3A_244] : memref<1000000x64xf32, #tpu.memory_space<hbm>> -> memref<1x64xf32, #tpu.memory_space<hbm>>
      %dma_start3A_246 = arith.constant 0 : i32
      %dma_start3A_247 = tpu.memref_slice %arg13[%add3A_239, %dma_start3A_246] : memref<512x64xf32, #tpu.memory_space<vmem>> -> memref<1x64xf32, #tpu.memory_space<vmem>>
      %dma_start3A_248 = arith.constant 0 : i32
      %dma_start3A_249 = tpu.memref_slice %arg5[%squeeze3A_241, %dma_start3A_248] : memref<1000000x64xf32, #tpu.memory_space<hbm>> -> memref<1x64xf32, #tpu.memory_space<hbm>>
      tpu.enqueue_dma source(%dma_start3A_249 : memref<1x64xf32, #tpu.memory_space<hbm>>) target(%dma_start3A_247 : memref<1x64xf32, #tpu.memory_space<vmem>>) target_semaphore(%arg14 : memref<!tpu.dma_semaphore, #tpu.memory_space<semaphore_mem>>)
      %mul3A_250 = arith.constant 16 : i32
      %mul3A_251 = arith.muli %scan3A_38, %mul3A_250 : i32
      %add3A_252 = arith.constant 15 : i32
      %add3A_253 = arith.addi %mul3A_251, %add3A_252 : i32
      %slice3A_254 = vector.extract_strided_slice %get3A_42 {offsets = [15], sizes = [1], strides = [1]} : vector<16xi32> to vector<1xi32>
      %squeeze3A_255 = vector.extract %slice3A_254[0] : i32 from vector<1xi32>
      %dma_start3A_256 = arith.constant 0 : i32
      %dma_start3A_257 = tpu.memref_slice %arg13[%add3A_253, %dma_start3A_256] : memref<512x64xf32, #tpu.memory_space<vmem>> -> memref<1x64xf32, #tpu.memory_space<vmem>>
      %dma_start3A_258 = arith.constant 0 : i32
      %dma_start3A_259 = tpu.memref_slice %arg5[%squeeze3A_255, %dma_start3A_258] : memref<1000000x64xf32, #tpu.memory_space<hbm>> -> memref<1x64xf32, #tpu.memory_space<hbm>>
      %dma_start3A_260 = arith.constant 0 : i32
      %dma_start3A_261 = tpu.memref_slice %arg13[%add3A_253, %dma_start3A_260] : memref<512x64xf32, #tpu.memory_space<vmem>> -> memref<1x64xf32, #tpu.memory_space<vmem>>
      %dma_start3A_262 = arith.constant 0 : i32
      %dma_start3A_263 = tpu.memref_slice %arg5[%squeeze3A_255, %dma_start3A_262] : memref<1000000x64xf32, #tpu.memory_space<hbm>> -> memref<1x64xf32, #tpu.memory_space<hbm>>
      tpu.enqueue_dma source(%dma_start3A_263 : memref<1x64xf32, #tpu.memory_space<hbm>>) target(%dma_start3A_261 : memref<1x64xf32, #tpu.memory_space<vmem>>) target_semaphore(%arg14 : memref<!tpu.dma_semaphore, #tpu.memory_space<semaphore_mem>>)
    }
    %scan3A_7 = arith.constant 32 : i32
    %scan3A_8 = arith.constant 0 : i32
    %scan3A_9 = arith.constant 0 : i32
    %scan3A_10 = arith.constant 512 : i32
    %scan3A_11 = arith.addi %scan3A_9, %scan3A_10 : i32
    %scan3A_12 = arith.constant 1 : i32
    scf.for %scan3A_38 = %scan3A_9 to %scan3A_11 step %scan3A_12  : i32 {
      %dma_wait3A = arith.constant 0 : i32
      %dma_wait3A_39 = arith.constant 0 : i32
      %dma_wait3A_40 = tpu.memref_slice %arg13[%dma_wait3A, %dma_wait3A_39] : memref<512x64xf32, #tpu.memory_space<vmem>> -> memref<1x64xf32, #tpu.memory_space<vmem>>
      %dma_wait3A_41 = arith.constant 0 : i32
      %dma_wait3A_42 = arith.constant 0 : i32
      %dma_wait3A_43 = tpu.memref_slice %arg5[%dma_wait3A_41, %dma_wait3A_42] : memref<1000000x64xf32, #tpu.memory_space<hbm>> -> memref<1x64xf32, #tpu.memory_space<hbm>>
      %dma_wait3A_44 = arith.constant 0 : i32
      %dma_wait3A_45 = arith.constant 0 : i32
      %dma_wait3A_46 = tpu.memref_slice %arg13[%dma_wait3A_44, %dma_wait3A_45] : memref<512x64xf32, #tpu.memory_space<vmem>> -> memref<1x64xf32, #tpu.memory_space<vmem>>
      %dma_wait3A_47 = arith.constant 0 : i32
      %dma_wait3A_48 = arith.constant 0 : i32
      %dma_wait3A_49 = tpu.memref_slice %arg5[%dma_wait3A_47, %dma_wait3A_48] : memref<1000000x64xf32, #tpu.memory_space<hbm>> -> memref<1x64xf32, #tpu.memory_space<hbm>>
      tpu.wait_dma2 semaphore(%arg14 : memref<!tpu.dma_semaphore, #tpu.memory_space<semaphore_mem>>) src(%dma_wait3A_49 : memref<1x64xf32, #tpu.memory_space<hbm>>) dst(%dma_wait3A_46 : memref<1x64xf32, #tpu.memory_space<vmem>>)
    }
    %scan3A_13 = arith.constant 512 : i32
    "tpu.region"() ({
      %run_scoped3A = tpu.sem_alloc : memref<!tpu.dma_semaphore, #tpu.memory_space<semaphore_mem>>
      %dma_start3A = arith.constant 0 : i32
      %dma_start3A_38 = tpu.memref_slice %arg7[%mul3A_2, %dma_start3A] : memref<16384x64xf32, #tpu.memory_space<hbm>> -> memref<512x64xf32, #tpu.memory_space<hbm>>
      %dma_start3A_39 = arith.constant 0 : i32
      %dma_start3A_40 = tpu.memref_slice %arg7[%mul3A_2, %dma_start3A_39] : memref<16384x64xf32, #tpu.memory_space<hbm>> -> memref<512x64xf32, #tpu.memory_space<hbm>>
      tpu.enqueue_dma source(%arg13 : memref<512x64xf32, #tpu.memory_space<vmem>>) target(%dma_start3A_40 : memref<512x64xf32, #tpu.memory_space<hbm>>) target_semaphore(%run_scoped3A : memref<!tpu.dma_semaphore, #tpu.memory_space<semaphore_mem>>)
      %dma_wait3A = arith.constant 0 : i32
      %dma_wait3A_41 = tpu.memref_slice %arg7[%mul3A_2, %dma_wait3A] : memref<16384x64xf32, #tpu.memory_space<hbm>> -> memref<512x64xf32, #tpu.memory_space<hbm>>
      %dma_wait3A_42 = arith.constant 0 : i32
      %dma_wait3A_43 = tpu.memref_slice %arg7[%mul3A_2, %dma_wait3A_42] : memref<16384x64xf32, #tpu.memory_space<hbm>> -> memref<512x64xf32, #tpu.memory_space<hbm>>
      tpu.wait_dma2 semaphore(%run_scoped3A : memref<!tpu.dma_semaphore, #tpu.memory_space<semaphore_mem>>) src(%arg13 : memref<512x64xf32, #tpu.memory_space<vmem>>) dst(%dma_wait3A_43 : memref<512x64xf32, #tpu.memory_space<hbm>>)
      tpu.yield
    }) : () -> ()
    %scan3A_14 = arith.constant 0 : i32
    %scan3A_15 = arith.constant 0 : i32
    %scan3A_16 = arith.constant 32 : i32
    %scan3A_17 = arith.addi %scan3A_15, %scan3A_16 : i32
    %scan3A_18 = arith.constant 1 : i32
    scf.for %scan3A_38 = %scan3A_15 to %scan3A_17 step %scan3A_18  : i32 {
      %mul3A_39 = arith.constant 16 : i32
      %mul3A_40 = arith.muli %scan3A_38, %mul3A_39 : i32
      %get3A = arith.index_cast %mul3A_40 : i32 to index
      %get3A_41 = tpu.vector_load %arg11[%get3A] {strides = array<i32>} : memref<512xi32, #tpu.memory_space<vmem>>, vector<16xi32>,
      %get3A_42 = vector.shape_cast %get3A_41 : vector<16xi32> to vector<16xi32>
      %mul3A_43 = arith.constant 16 : i32
      %mul3A_44 = arith.muli %scan3A_38, %mul3A_43 : i32
      %add3A_45 = arith.constant 0 : i32
      %add3A_46 = arith.addi %mul3A_44, %add3A_45 : i32
      %slice3A = vector.extract_strided_slice %get3A_42 {offsets = [0], sizes = [1], strides = [1]} : vector<16xi32> to vector<1xi32>
      %squeeze3A = vector.extract %slice3A[0] : i32 from vector<1xi32>
      %dma_start3A = arith.constant 0 : i32
      %dma_start3A_47 = tpu.memref_slice %arg13[%add3A_46, %dma_start3A] : memref<512x64xf32, #tpu.memory_space<vmem>> -> memref<1x64xf32, #tpu.memory_space<vmem>>
      %dma_start3A_48 = arith.constant 0 : i32
      %dma_start3A_49 = tpu.memref_slice %arg5[%squeeze3A, %dma_start3A_48] : memref<1000000x64xf32, #tpu.memory_space<hbm>> -> memref<1x64xf32, #tpu.memory_space<hbm>>
      %dma_start3A_50 = arith.constant 0 : i32
      %dma_start3A_51 = tpu.memref_slice %arg13[%add3A_46, %dma_start3A_50] : memref<512x64xf32, #tpu.memory_space<vmem>> -> memref<1x64xf32, #tpu.memory_space<vmem>>
      %dma_start3A_52 = arith.constant 0 : i32
      %dma_start3A_53 = tpu.memref_slice %arg5[%squeeze3A, %dma_start3A_52] : memref<1000000x64xf32, #tpu.memory_space<hbm>> -> memref<1x64xf32, #tpu.memory_space<hbm>>
      tpu.enqueue_dma source(%dma_start3A_53 : memref<1x64xf32, #tpu.memory_space<hbm>>) target(%dma_start3A_51 : memref<1x64xf32, #tpu.memory_space<vmem>>) target_semaphore(%arg14 : memref<!tpu.dma_semaphore, #tpu.memory_space<semaphore_mem>>)
      %mul3A_54 = arith.constant 16 : i32
      %mul3A_55 = arith.muli %scan3A_38, %mul3A_54 : i32
      %add3A_56 = arith.constant 1 : i32
      %add3A_57 = arith.addi %mul3A_55, %add3A_56 : i32
      %slice3A_58 = vector.extract_strided_slice %get3A_42 {offsets = [1], sizes = [1], strides = [1]} : vector<16xi32> to vector<1xi32>
      %squeeze3A_59 = vector.extract %slice3A_58[0] : i32 from vector<1xi32>
      %dma_start3A_60 = arith.constant 0 : i32
      %dma_start3A_61 = tpu.memref_slice %arg13[%add3A_57, %dma_start3A_60] : memref<512x64xf32, #tpu.memory_space<vmem>> -> memref<1x64xf32, #tpu.memory_space<vmem>>
      %dma_start3A_62 = arith.constant 0 : i32
      %dma_start3A_63 = tpu.memref_slice %arg5[%squeeze3A_59, %dma_start3A_62] : memref<1000000x64xf32, #tpu.memory_space<hbm>> -> memref<1x64xf32, #tpu.memory_space<hbm>>
      %dma_start3A_64 = arith.constant 0 : i32
      %dma_start3A_65 = tpu.memref_slice %arg13[%add3A_57, %dma_start3A_64] : memref<512x64xf32, #tpu.memory_space<vmem>> -> memref<1x64xf32, #tpu.memory_space<vmem>>
      %dma_start3A_66 = arith.constant 0 : i32
      %dma_start3A_67 = tpu.memref_slice %arg5[%squeeze3A_59, %dma_start3A_66] : memref<1000000x64xf32, #tpu.memory_space<hbm>> -> memref<1x64xf32, #tpu.memory_space<hbm>>
      tpu.enqueue_dma source(%dma_start3A_67 : memref<1x64xf32, #tpu.memory_space<hbm>>) target(%dma_start3A_65 : memref<1x64xf32, #tpu.memory_space<vmem>>) target_semaphore(%arg14 : memref<!tpu.dma_semaphore, #tpu.memory_space<semaphore_mem>>)
      %mul3A_68 = arith.constant 16 : i32
      %mul3A_69 = arith.muli %scan3A_38, %mul3A_68 : i32
      %add3A_70 = arith.constant 2 : i32
      %add3A_71 = arith.addi %mul3A_69, %add3A_70 : i32
      %slice3A_72 = vector.extract_strided_slice %get3A_42 {offsets = [2], sizes = [1], strides = [1]} : vector<16xi32> to vector<1xi32>
      %squeeze3A_73 = vector.extract %slice3A_72[0] : i32 from vector<1xi32>
      %dma_start3A_74 = arith.constant 0 : i32
      %dma_start3A_75 = tpu.memref_slice %arg13[%add3A_71, %dma_start3A_74] : memref<512x64xf32, #tpu.memory_space<vmem>> -> memref<1x64xf32, #tpu.memory_space<vmem>>
      %dma_start3A_76 = arith.constant 0 : i32
      %dma_start3A_77 = tpu.memref_slice %arg5[%squeeze3A_73, %dma_start3A_76] : memref<1000000x64xf32, #tpu.memory_space<hbm>> -> memref<1x64xf32, #tpu.memory_space<hbm>>
      %dma_start3A_78 = arith.constant 0 : i32
      %dma_start3A_79 = tpu.memref_slice %arg13[%add3A_71, %dma_start3A_78] : memref<512x64xf32, #tpu.memory_space<vmem>> -> memref<1x64xf32, #tpu.memory_space<vmem>>
      %dma_start3A_80 = arith.constant 0 : i32
      %dma_start3A_81 = tpu.memref_slice %arg5[%squeeze3A_73, %dma_start3A_80] : memref<1000000x64xf32, #tpu.memory_space<hbm>> -> memref<1x64xf32, #tpu.memory_space<hbm>>
      tpu.enqueue_dma source(%dma_start3A_81 : memref<1x64xf32, #tpu.memory_space<hbm>>) target(%dma_start3A_79 : memref<1x64xf32, #tpu.memory_space<vmem>>) target_semaphore(%arg14 : memref<!tpu.dma_semaphore, #tpu.memory_space<semaphore_mem>>)
      %mul3A_82 = arith.constant 16 : i32
      %mul3A_83 = arith.muli %scan3A_38, %mul3A_82 : i32
      %add3A_84 = arith.constant 3 : i32
      %add3A_85 = arith.addi %mul3A_83, %add3A_84 : i32
      %slice3A_86 = vector.extract_strided_slice %get3A_42 {offsets = [3], sizes = [1], strides = [1]} : vector<16xi32> to vector<1xi32>
      %squeeze3A_87 = vector.extract %slice3A_86[0] : i32 from vector<1xi32>
      %dma_start3A_88 = arith.constant 0 : i32
      %dma_start3A_89 = tpu.memref_slice %arg13[%add3A_85, %dma_start3A_88] : memref<512x64xf32, #tpu.memory_space<vmem>> -> memref<1x64xf32, #tpu.memory_space<vmem>>
      %dma_start3A_90 = arith.constant 0 : i32
      %dma_start3A_91 = tpu.memref_slice %arg5[%squeeze3A_87, %dma_start3A_90] : memref<1000000x64xf32, #tpu.memory_space<hbm>> -> memref<1x64xf32, #tpu.memory_space<hbm>>
      %dma_start3A_92 = arith.constant 0 : i32
      %dma_start3A_93 = tpu.memref_slice %arg13[%add3A_85, %dma_start3A_92] : memref<512x64xf32, #tpu.memory_space<vmem>> -> memref<1x64xf32, #tpu.memory_space<vmem>>
      %dma_start3A_94 = arith.constant 0 : i32
      %dma_start3A_95 = tpu.memref_slice %arg5[%squeeze3A_87, %dma_start3A_94] : memref<1000000x64xf32, #tpu.memory_space<hbm>> -> memref<1x64xf32, #tpu.memory_space<hbm>>
      tpu.enqueue_dma source(%dma_start3A_95 : memref<1x64xf32, #tpu.memory_space<hbm>>) target(%dma_start3A_93 : memref<1x64xf32, #tpu.memory_space<vmem>>) target_semaphore(%arg14 : memref<!tpu.dma_semaphore, #tpu.memory_space<semaphore_mem>>)
      %mul3A_96 = arith.constant 16 : i32
      %mul3A_97 = arith.muli %scan3A_38, %mul3A_96 : i32
      %add3A_98 = arith.constant 4 : i32
      %add3A_99 = arith.addi %mul3A_97, %add3A_98 : i32
      %slice3A_100 = vector.extract_strided_slice %get3A_42 {offsets = [4], sizes = [1], strides = [1]} : vector<16xi32> to vector<1xi32>
      %squeeze3A_101 = vector.extract %slice3A_100[0] : i32 from vector<1xi32>
      %dma_start3A_102 = arith.constant 0 : i32
      %dma_start3A_103 = tpu.memref_slice %arg13[%add3A_99, %dma_start3A_102] : memref<512x64xf32, #tpu.memory_space<vmem>> -> memref<1x64xf32, #tpu.memory_space<vmem>>
      %dma_start3A_104 = arith.constant 0 : i32
      %dma_start3A_105 = tpu.memref_slice %arg5[%squeeze3A_101, %dma_start3A_104] : memref<1000000x64xf32, #tpu.memory_space<hbm>> -> memref<1x64xf32, #tpu.memory_space<hbm>>
      %dma_start3A_106 = arith.constant 0 : i32
      %dma_start3A_107 = tpu.memref_slice %arg13[%add3A_99, %dma_start3A_106] : memref<512x64xf32, #tpu.memory_space<vmem>> -> memref<1x64xf32, #tpu.memory_space<vmem>>
      %dma_start3A_108 = arith.constant 0 : i32
      %dma_start3A_109 = tpu.memref_slice %arg5[%squeeze3A_101, %dma_start3A_108] : memref<1000000x64xf32, #tpu.memory_space<hbm>> -> memref<1x64xf32, #tpu.memory_space<hbm>>
      tpu.enqueue_dma source(%dma_start3A_109 : memref<1x64xf32, #tpu.memory_space<hbm>>) target(%dma_start3A_107 : memref<1x64xf32, #tpu.memory_space<vmem>>) target_semaphore(%arg14 : memref<!tpu.dma_semaphore, #tpu.memory_space<semaphore_mem>>)
      %mul3A_110 = arith.constant 16 : i32
      %mul3A_111 = arith.muli %scan3A_38, %mul3A_110 : i32
      %add3A_112 = arith.constant 5 : i32
      %add3A_113 = arith.addi %mul3A_111, %add3A_112 : i32
      %slice3A_114 = vector.extract_strided_slice %get3A_42 {offsets = [5], sizes = [1], strides = [1]} : vector<16xi32> to vector<1xi32>
      %squeeze3A_115 = vector.extract %slice3A_114[0] : i32 from vector<1xi32>
      %dma_start3A_116 = arith.constant 0 : i32
      %dma_start3A_117 = tpu.memref_slice %arg13[%add3A_113, %dma_start3A_116] : memref<512x64xf32, #tpu.memory_space<vmem>> -> memref<1x64xf32, #tpu.memory_space<vmem>>
      %dma_start3A_118 = arith.constant 0 : i32
      %dma_start3A_119 = tpu.memref_slice %arg5[%squeeze3A_115, %dma_start3A_118] : memref<1000000x64xf32, #tpu.memory_space<hbm>> -> memref<1x64xf32, #tpu.memory_space<hbm>>
      %dma_start3A_120 = arith.constant 0 : i32
      %dma_start3A_121 = tpu.memref_slice %arg13[%add3A_113, %dma_start3A_120] : memref<512x64xf32, #tpu.memory_space<vmem>> -> memref<1x64xf32, #tpu.memory_space<vmem>>
      %dma_start3A_122 = arith.constant 0 : i32
      %dma_start3A_123 = tpu.memref_slice %arg5[%squeeze3A_115, %dma_start3A_122] : memref<1000000x64xf32, #tpu.memory_space<hbm>> -> memref<1x64xf32, #tpu.memory_space<hbm>>
      tpu.enqueue_dma source(%dma_start3A_123 : memref<1x64xf32, #tpu.memory_space<hbm>>) target(%dma_start3A_121 : memref<1x64xf32, #tpu.memory_space<vmem>>) target_semaphore(%arg14 : memref<!tpu.dma_semaphore, #tpu.memory_space<semaphore_mem>>)
      %mul3A_124 = arith.constant 16 : i32
      %mul3A_125 = arith.muli %scan3A_38, %mul3A_124 : i32
      %add3A_126 = arith.constant 6 : i32
      %add3A_127 = arith.addi %mul3A_125, %add3A_126 : i32
      %slice3A_128 = vector.extract_strided_slice %get3A_42 {offsets = [6], sizes = [1], strides = [1]} : vector<16xi32> to vector<1xi32>
      %squeeze3A_129 = vector.extract %slice3A_128[0] : i32 from vector<1xi32>
      %dma_start3A_130 = arith.constant 0 : i32
      %dma_start3A_131 = tpu.memref_slice %arg13[%add3A_127, %dma_start3A_130] : memref<512x64xf32, #tpu.memory_space<vmem>> -> memref<1x64xf32, #tpu.memory_space<vmem>>
      %dma_start3A_132 = arith.constant 0 : i32
      %dma_start3A_133 = tpu.memref_slice %arg5[%squeeze3A_129, %dma_start3A_132] : memref<1000000x64xf32, #tpu.memory_space<hbm>> -> memref<1x64xf32, #tpu.memory_space<hbm>>
      %dma_start3A_134 = arith.constant 0 : i32
      %dma_start3A_135 = tpu.memref_slice %arg13[%add3A_127, %dma_start3A_134] : memref<512x64xf32, #tpu.memory_space<vmem>> -> memref<1x64xf32, #tpu.memory_space<vmem>>
      %dma_start3A_136 = arith.constant 0 : i32
      %dma_start3A_137 = tpu.memref_slice %arg5[%squeeze3A_129, %dma_start3A_136] : memref<1000000x64xf32, #tpu.memory_space<hbm>> -> memref<1x64xf32, #tpu.memory_space<hbm>>
      tpu.enqueue_dma source(%dma_start3A_137 : memref<1x64xf32, #tpu.memory_space<hbm>>) target(%dma_start3A_135 : memref<1x64xf32, #tpu.memory_space<vmem>>) target_semaphore(%arg14 : memref<!tpu.dma_semaphore, #tpu.memory_space<semaphore_mem>>)
      %mul3A_138 = arith.constant 16 : i32
      %mul3A_139 = arith.muli %scan3A_38, %mul3A_138 : i32
      %add3A_140 = arith.constant 7 : i32
      %add3A_141 = arith.addi %mul3A_139, %add3A_140 : i32
      %slice3A_142 = vector.extract_strided_slice %get3A_42 {offsets = [7], sizes = [1], strides = [1]} : vector<16xi32> to vector<1xi32>
      %squeeze3A_143 = vector.extract %slice3A_142[0] : i32 from vector<1xi32>
      %dma_start3A_144 = arith.constant 0 : i32
      %dma_start3A_145 = tpu.memref_slice %arg13[%add3A_141, %dma_start3A_144] : memref<512x64xf32, #tpu.memory_space<vmem>> -> memref<1x64xf32, #tpu.memory_space<vmem>>
      %dma_start3A_146 = arith.constant 0 : i32
      %dma_start3A_147 = tpu.memref_slice %arg5[%squeeze3A_143, %dma_start3A_146] : memref<1000000x64xf32, #tpu.memory_space<hbm>> -> memref<1x64xf32, #tpu.memory_space<hbm>>
      %dma_start3A_148 = arith.constant 0 : i32
      %dma_start3A_149 = tpu.memref_slice %arg13[%add3A_141, %dma_start3A_148] : memref<512x64xf32, #tpu.memory_space<vmem>> -> memref<1x64xf32, #tpu.memory_space<vmem>>
      %dma_start3A_150 = arith.constant 0 : i32
      %dma_start3A_151 = tpu.memref_slice %arg5[%squeeze3A_143, %dma_start3A_150] : memref<1000000x64xf32, #tpu.memory_space<hbm>> -> memref<1x64xf32, #tpu.memory_space<hbm>>
      tpu.enqueue_dma source(%dma_start3A_151 : memref<1x64xf32, #tpu.memory_space<hbm>>) target(%dma_start3A_149 : memref<1x64xf32, #tpu.memory_space<vmem>>) target_semaphore(%arg14 : memref<!tpu.dma_semaphore, #tpu.memory_space<semaphore_mem>>)
      %mul3A_152 = arith.constant 16 : i32
      %mul3A_153 = arith.muli %scan3A_38, %mul3A_152 : i32
      %add3A_154 = arith.constant 8 : i32
      %add3A_155 = arith.addi %mul3A_153, %add3A_154 : i32
      %slice3A_156 = vector.extract_strided_slice %get3A_42 {offsets = [8], sizes = [1], strides = [1]} : vector<16xi32> to vector<1xi32>
      %squeeze3A_157 = vector.extract %slice3A_156[0] : i32 from vector<1xi32>
      %dma_start3A_158 = arith.constant 0 : i32
      %dma_start3A_159 = tpu.memref_slice %arg13[%add3A_155, %dma_start3A_158] : memref<512x64xf32, #tpu.memory_space<vmem>> -> memref<1x64xf32, #tpu.memory_space<vmem>>
      %dma_start3A_160 = arith.constant 0 : i32
      %dma_start3A_161 = tpu.memref_slice %arg5[%squeeze3A_157, %dma_start3A_160] : memref<1000000x64xf32, #tpu.memory_space<hbm>> -> memref<1x64xf32, #tpu.memory_space<hbm>>
      %dma_start3A_162 = arith.constant 0 : i32
      %dma_start3A_163 = tpu.memref_slice %arg13[%add3A_155, %dma_start3A_162] : memref<512x64xf32, #tpu.memory_space<vmem>> -> memref<1x64xf32, #tpu.memory_space<vmem>>
      %dma_start3A_164 = arith.constant 0 : i32
      %dma_start3A_165 = tpu.memref_slice %arg5[%squeeze3A_157, %dma_start3A_164] : memref<1000000x64xf32, #tpu.memory_space<hbm>> -> memref<1x64xf32, #tpu.memory_space<hbm>>
      tpu.enqueue_dma source(%dma_start3A_165 : memref<1x64xf32, #tpu.memory_space<hbm>>) target(%dma_start3A_163 : memref<1x64xf32, #tpu.memory_space<vmem>>) target_semaphore(%arg14 : memref<!tpu.dma_semaphore, #tpu.memory_space<semaphore_mem>>)
      %mul3A_166 = arith.constant 16 : i32
      %mul3A_167 = arith.muli %scan3A_38, %mul3A_166 : i32
      %add3A_168 = arith.constant 9 : i32
      %add3A_169 = arith.addi %mul3A_167, %add3A_168 : i32
      %slice3A_170 = vector.extract_strided_slice %get3A_42 {offsets = [9], sizes = [1], strides = [1]} : vector<16xi32> to vector<1xi32>
      %squeeze3A_171 = vector.extract %slice3A_170[0] : i32 from vector<1xi32>
      %dma_start3A_172 = arith.constant 0 : i32
      %dma_start3A_173 = tpu.memref_slice %arg13[%add3A_169, %dma_start3A_172] : memref<512x64xf32, #tpu.memory_space<vmem>> -> memref<1x64xf32, #tpu.memory_space<vmem>>
      %dma_start3A_174 = arith.constant 0 : i32
      %dma_start3A_175 = tpu.memref_slice %arg5[%squeeze3A_171, %dma_start3A_174] : memref<1000000x64xf32, #tpu.memory_space<hbm>> -> memref<1x64xf32, #tpu.memory_space<hbm>>
      %dma_start3A_176 = arith.constant 0 : i32
      %dma_start3A_177 = tpu.memref_slice %arg13[%add3A_169, %dma_start3A_176] : memref<512x64xf32, #tpu.memory_space<vmem>> -> memref<1x64xf32, #tpu.memory_space<vmem>>
      %dma_start3A_178 = arith.constant 0 : i32
      %dma_start3A_179 = tpu.memref_slice %arg5[%squeeze3A_171, %dma_start3A_178] : memref<1000000x64xf32, #tpu.memory_space<hbm>> -> memref<1x64xf32, #tpu.memory_space<hbm>>
      tpu.enqueue_dma source(%dma_start3A_179 : memref<1x64xf32, #tpu.memory_space<hbm>>) target(%dma_start3A_177 : memref<1x64xf32, #tpu.memory_space<vmem>>) target_semaphore(%arg14 : memref<!tpu.dma_semaphore, #tpu.memory_space<semaphore_mem>>)
      %mul3A_180 = arith.constant 16 : i32
      %mul3A_181 = arith.muli %scan3A_38, %mul3A_180 : i32
      %add3A_182 = arith.constant 10 : i32
      %add3A_183 = arith.addi %mul3A_181, %add3A_182 : i32
      %slice3A_184 = vector.extract_strided_slice %get3A_42 {offsets = [10], sizes = [1], strides = [1]} : vector<16xi32> to vector<1xi32>
      %squeeze3A_185 = vector.extract %slice3A_184[0] : i32 from vector<1xi32>
      %dma_start3A_186 = arith.constant 0 : i32
      %dma_start3A_187 = tpu.memref_slice %arg13[%add3A_183, %dma_start3A_186] : memref<512x64xf32, #tpu.memory_space<vmem>> -> memref<1x64xf32, #tpu.memory_space<vmem>>
      %dma_start3A_188 = arith.constant 0 : i32
      %dma_start3A_189 = tpu.memref_slice %arg5[%squeeze3A_185, %dma_start3A_188] : memref<1000000x64xf32, #tpu.memory_space<hbm>> -> memref<1x64xf32, #tpu.memory_space<hbm>>
      %dma_start3A_190 = arith.constant 0 : i32
      %dma_start3A_191 = tpu.memref_slice %arg13[%add3A_183, %dma_start3A_190] : memref<512x64xf32, #tpu.memory_space<vmem>> -> memref<1x64xf32, #tpu.memory_space<vmem>>
      %dma_start3A_192 = arith.constant 0 : i32
      %dma_start3A_193 = tpu.memref_slice %arg5[%squeeze3A_185, %dma_start3A_192] : memref<1000000x64xf32, #tpu.memory_space<hbm>> -> memref<1x64xf32, #tpu.memory_space<hbm>>
      tpu.enqueue_dma source(%dma_start3A_193 : memref<1x64xf32, #tpu.memory_space<hbm>>) target(%dma_start3A_191 : memref<1x64xf32, #tpu.memory_space<vmem>>) target_semaphore(%arg14 : memref<!tpu.dma_semaphore, #tpu.memory_space<semaphore_mem>>)
      %mul3A_194 = arith.constant 16 : i32
      %mul3A_195 = arith.muli %scan3A_38, %mul3A_194 : i32
      %add3A_196 = arith.constant 11 : i32
      %add3A_197 = arith.addi %mul3A_195, %add3A_196 : i32
      %slice3A_198 = vector.extract_strided_slice %get3A_42 {offsets = [11], sizes = [1], strides = [1]} : vector<16xi32> to vector<1xi32>
      %squeeze3A_199 = vector.extract %slice3A_198[0] : i32 from vector<1xi32>
      %dma_start3A_200 = arith.constant 0 : i32
      %dma_start3A_201 = tpu.memref_slice %arg13[%add3A_197, %dma_start3A_200] : memref<512x64xf32, #tpu.memory_space<vmem>> -> memref<1x64xf32, #tpu.memory_space<vmem>>
      %dma_start3A_202 = arith.constant 0 : i32
      %dma_start3A_203 = tpu.memref_slice %arg5[%squeeze3A_199, %dma_start3A_202] : memref<1000000x64xf32, #tpu.memory_space<hbm>> -> memref<1x64xf32, #tpu.memory_space<hbm>>
      %dma_start3A_204 = arith.constant 0 : i32
      %dma_start3A_205 = tpu.memref_slice %arg13[%add3A_197, %dma_start3A_204] : memref<512x64xf32, #tpu.memory_space<vmem>> -> memref<1x64xf32, #tpu.memory_space<vmem>>
      %dma_start3A_206 = arith.constant 0 : i32
      %dma_start3A_207 = tpu.memref_slice %arg5[%squeeze3A_199, %dma_start3A_206] : memref<1000000x64xf32, #tpu.memory_space<hbm>> -> memref<1x64xf32, #tpu.memory_space<hbm>>
      tpu.enqueue_dma source(%dma_start3A_207 : memref<1x64xf32, #tpu.memory_space<hbm>>) target(%dma_start3A_205 : memref<1x64xf32, #tpu.memory_space<vmem>>) target_semaphore(%arg14 : memref<!tpu.dma_semaphore, #tpu.memory_space<semaphore_mem>>)
      %mul3A_208 = arith.constant 16 : i32
      %mul3A_209 = arith.muli %scan3A_38, %mul3A_208 : i32
      %add3A_210 = arith.constant 12 : i32
      %add3A_211 = arith.addi %mul3A_209, %add3A_210 : i32
      %slice3A_212 = vector.extract_strided_slice %get3A_42 {offsets = [12], sizes = [1], strides = [1]} : vector<16xi32> to vector<1xi32>
      %squeeze3A_213 = vector.extract %slice3A_212[0] : i32 from vector<1xi32>
      %dma_start3A_214 = arith.constant 0 : i32
      %dma_start3A_215 = tpu.memref_slice %arg13[%add3A_211, %dma_start3A_214] : memref<512x64xf32, #tpu.memory_space<vmem>> -> memref<1x64xf32, #tpu.memory_space<vmem>>
      %dma_start3A_216 = arith.constant 0 : i32
      %dma_start3A_217 = tpu.memref_slice %arg5[%squeeze3A_213, %dma_start3A_216] : memref<1000000x64xf32, #tpu.memory_space<hbm>> -> memref<1x64xf32, #tpu.memory_space<hbm>>
      %dma_start3A_218 = arith.constant 0 : i32
      %dma_start3A_219 = tpu.memref_slice %arg13[%add3A_211, %dma_start3A_218] : memref<512x64xf32, #tpu.memory_space<vmem>> -> memref<1x64xf32, #tpu.memory_space<vmem>>
      %dma_start3A_220 = arith.constant 0 : i32
      %dma_start3A_221 = tpu.memref_slice %arg5[%squeeze3A_213, %dma_start3A_220] : memref<1000000x64xf32, #tpu.memory_space<hbm>> -> memref<1x64xf32, #tpu.memory_space<hbm>>
      tpu.enqueue_dma source(%dma_start3A_221 : memref<1x64xf32, #tpu.memory_space<hbm>>) target(%dma_start3A_219 : memref<1x64xf32, #tpu.memory_space<vmem>>) target_semaphore(%arg14 : memref<!tpu.dma_semaphore, #tpu.memory_space<semaphore_mem>>)
      %mul3A_222 = arith.constant 16 : i32
      %mul3A_223 = arith.muli %scan3A_38, %mul3A_222 : i32
      %add3A_224 = arith.constant 13 : i32
      %add3A_225 = arith.addi %mul3A_223, %add3A_224 : i32
      %slice3A_226 = vector.extract_strided_slice %get3A_42 {offsets = [13], sizes = [1], strides = [1]} : vector<16xi32> to vector<1xi32>
      %squeeze3A_227 = vector.extract %slice3A_226[0] : i32 from vector<1xi32>
      %dma_start3A_228 = arith.constant 0 : i32
      %dma_start3A_229 = tpu.memref_slice %arg13[%add3A_225, %dma_start3A_228] : memref<512x64xf32, #tpu.memory_space<vmem>> -> memref<1x64xf32, #tpu.memory_space<vmem>>
      %dma_start3A_230 = arith.constant 0 : i32
      %dma_start3A_231 = tpu.memref_slice %arg5[%squeeze3A_227, %dma_start3A_230] : memref<1000000x64xf32, #tpu.memory_space<hbm>> -> memref<1x64xf32, #tpu.memory_space<hbm>>
      %dma_start3A_232 = arith.constant 0 : i32
      %dma_start3A_233 = tpu.memref_slice %arg13[%add3A_225, %dma_start3A_232] : memref<512x64xf32, #tpu.memory_space<vmem>> -> memref<1x64xf32, #tpu.memory_space<vmem>>
      %dma_start3A_234 = arith.constant 0 : i32
      %dma_start3A_235 = tpu.memref_slice %arg5[%squeeze3A_227, %dma_start3A_234] : memref<1000000x64xf32, #tpu.memory_space<hbm>> -> memref<1x64xf32, #tpu.memory_space<hbm>>
      tpu.enqueue_dma source(%dma_start3A_235 : memref<1x64xf32, #tpu.memory_space<hbm>>) target(%dma_start3A_233 : memref<1x64xf32, #tpu.memory_space<vmem>>) target_semaphore(%arg14 : memref<!tpu.dma_semaphore, #tpu.memory_space<semaphore_mem>>)
      %mul3A_236 = arith.constant 16 : i32
      %mul3A_237 = arith.muli %scan3A_38, %mul3A_236 : i32
      %add3A_238 = arith.constant 14 : i32
      %add3A_239 = arith.addi %mul3A_237, %add3A_238 : i32
      %slice3A_240 = vector.extract_strided_slice %get3A_42 {offsets = [14], sizes = [1], strides = [1]} : vector<16xi32> to vector<1xi32>
      %squeeze3A_241 = vector.extract %slice3A_240[0] : i32 from vector<1xi32>
      %dma_start3A_242 = arith.constant 0 : i32
      %dma_start3A_243 = tpu.memref_slice %arg13[%add3A_239, %dma_start3A_242] : memref<512x64xf32, #tpu.memory_space<vmem>> -> memref<1x64xf32, #tpu.memory_space<vmem>>
      %dma_start3A_244 = arith.constant 0 : i32
      %dma_start3A_245 = tpu.memref_slice %arg5[%squeeze3A_241, %dma_start3A_244] : memref<1000000x64xf32, #tpu.memory_space<hbm>> -> memref<1x64xf32, #tpu.memory_space<hbm>>
      %dma_start3A_246 = arith.constant 0 : i32
      %dma_start3A_247 = tpu.memref_slice %arg13[%add3A_239, %dma_start3A_246] : memref<512x64xf32, #tpu.memory_space<vmem>> -> memref<1x64xf32, #tpu.memory_space<vmem>>
      %dma_start3A_248 = arith.constant 0 : i32
      %dma_start3A_249 = tpu.memref_slice %arg5[%squeeze3A_241, %dma_start3A_248] : memref<1000000x64xf32, #tpu.memory_space<hbm>> -> memref<1x64xf32, #tpu.memory_space<hbm>>
      tpu.enqueue_dma source(%dma_start3A_249 : memref<1x64xf32, #tpu.memory_space<hbm>>) target(%dma_start3A_247 : memref<1x64xf32, #tpu.memory_space<vmem>>) target_semaphore(%arg14 : memref<!tpu.dma_semaphore, #tpu.memory_space<semaphore_mem>>)
      %mul3A_250 = arith.constant 16 : i32
      %mul3A_251 = arith.muli %scan3A_38, %mul3A_250 : i32
      %add3A_252 = arith.constant 15 : i32
      %add3A_253 = arith.addi %mul3A_251, %add3A_252 : i32
      %slice3A_254 = vector.extract_strided_slice %get3A_42 {offsets = [15], sizes = [1], strides = [1]} : vector<16xi32> to vector<1xi32>
      %squeeze3A_255 = vector.extract %slice3A_254[0] : i32 from vector<1xi32>
      %dma_start3A_256 = arith.constant 0 : i32
      %dma_start3A_257 = tpu.memref_slice %arg13[%add3A_253, %dma_start3A_256] : memref<512x64xf32, #tpu.memory_space<vmem>> -> memref<1x64xf32, #tpu.memory_space<vmem>>
      %dma_start3A_258 = arith.constant 0 : i32
      %dma_start3A_259 = tpu.memref_slice %arg5[%squeeze3A_255, %dma_start3A_258] : memref<1000000x64xf32, #tpu.memory_space<hbm>> -> memref<1x64xf32, #tpu.memory_space<hbm>>
      %dma_start3A_260 = arith.constant 0 : i32
      %dma_start3A_261 = tpu.memref_slice %arg13[%add3A_253, %dma_start3A_260] : memref<512x64xf32, #tpu.memory_space<vmem>> -> memref<1x64xf32, #tpu.memory_space<vmem>>
      %dma_start3A_262 = arith.constant 0 : i32
      %dma_start3A_263 = tpu.memref_slice %arg5[%squeeze3A_255, %dma_start3A_262] : memref<1000000x64xf32, #tpu.memory_space<hbm>> -> memref<1x64xf32, #tpu.memory_space<hbm>>
      tpu.enqueue_dma source(%dma_start3A_263 : memref<1x64xf32, #tpu.memory_space<hbm>>) target(%dma_start3A_261 : memref<1x64xf32, #tpu.memory_space<vmem>>) target_semaphore(%arg14 : memref<!tpu.dma_semaphore, #tpu.memory_space<semaphore_mem>>)
    }
    %scan3A_19 = arith.constant 32 : i32
    %scan3A_20 = arith.constant 0 : i32
    %scan3A_21 = arith.constant 0 : i32
    %scan3A_22 = arith.constant 512 : i32
    %scan3A_23 = arith.addi %scan3A_21, %scan3A_22 : i32
    %scan3A_24 = arith.constant 1 : i32
    scf.for %scan3A_38 = %scan3A_21 to %scan3A_23 step %scan3A_24  : i32 {
      %dma_wait3A = arith.constant 0 : i32
      %dma_wait3A_39 = arith.constant 0 : i32
      %dma_wait3A_40 = tpu.memref_slice %arg13[%dma_wait3A, %dma_wait3A_39] : memref<512x64xf32, #tpu.memory_space<vmem>> -> memref<1x64xf32, #tpu.memory_space<vmem>>
      %dma_wait3A_41 = arith.constant 0 : i32
      %dma_wait3A_42 = arith.constant 0 : i32
      %dma_wait3A_43 = tpu.memref_slice %arg5[%dma_wait3A_41, %dma_wait3A_42] : memref<1000000x64xf32, #tpu.memory_space<hbm>> -> memref<1x64xf32, #tpu.memory_space<hbm>>
      %dma_wait3A_44 = arith.constant 0 : i32
      %dma_wait3A_45 = arith.constant 0 : i32
      %dma_wait3A_46 = tpu.memref_slice %arg13[%dma_wait3A_44, %dma_wait3A_45] : memref<512x64xf32, #tpu.memory_space<vmem>> -> memref<1x64xf32, #tpu.memory_space<vmem>>
      %dma_wait3A_47 = arith.constant 0 : i32
      %dma_wait3A_48 = arith.constant 0 : i32
      %dma_wait3A_49 = tpu.memref_slice %arg5[%dma_wait3A_47, %dma_wait3A_48] : memref<1000000x64xf32, #tpu.memory_space<hbm>> -> memref<1x64xf32, #tpu.memory_space<hbm>>
      tpu.wait_dma2 semaphore(%arg14 : memref<!tpu.dma_semaphore, #tpu.memory_space<semaphore_mem>>) src(%dma_wait3A_49 : memref<1x64xf32, #tpu.memory_space<hbm>>) dst(%dma_wait3A_46 : memref<1x64xf32, #tpu.memory_space<vmem>>)
    }
    %scan3A_25 = arith.constant 512 : i32
    "tpu.region"() ({
      %run_scoped3A = tpu.sem_alloc : memref<!tpu.dma_semaphore, #tpu.memory_space<semaphore_mem>>
      %dma_start3A = arith.constant 0 : i32
      %dma_start3A_38 = tpu.memref_slice %arg8[%mul3A_2, %dma_start3A] : memref<16384x64xf32, #tpu.memory_space<hbm>> -> memref<512x64xf32, #tpu.memory_space<hbm>>
      %dma_start3A_39 = arith.constant 0 : i32
      %dma_start3A_40 = tpu.memref_slice %arg8[%mul3A_2, %dma_start3A_39] : memref<16384x64xf32, #tpu.memory_space<hbm>> -> memref<512x64xf32, #tpu.memory_space<hbm>>
      tpu.enqueue_dma source(%arg13 : memref<512x64xf32, #tpu.memory_space<vmem>>) target(%dma_start3A_40 : memref<512x64xf32, #tpu.memory_space<hbm>>) target_semaphore(%run_scoped3A : memref<!tpu.dma_semaphore, #tpu.memory_space<semaphore_mem>>)
      %dma_wait3A = arith.constant 0 : i32
      %dma_wait3A_41 = tpu.memref_slice %arg8[%mul3A_2, %dma_wait3A] : memref<16384x64xf32, #tpu.memory_space<hbm>> -> memref<512x64xf32, #tpu.memory_space<hbm>>
      %dma_wait3A_42 = arith.constant 0 : i32
      %dma_wait3A_43 = tpu.memref_slice %arg8[%mul3A_2, %dma_wait3A_42] : memref<16384x64xf32, #tpu.memory_space<hbm>> -> memref<512x64xf32, #tpu.memory_space<hbm>>
      tpu.wait_dma2 semaphore(%run_scoped3A : memref<!tpu.dma_semaphore, #tpu.memory_space<semaphore_mem>>) src(%arg13 : memref<512x64xf32, #tpu.memory_space<vmem>>) dst(%dma_wait3A_43 : memref<512x64xf32, #tpu.memory_space<hbm>>)
      tpu.yield
    }) : () -> ()
    %scan3A_26 = arith.constant 0 : i32
    %scan3A_27 = arith.constant 0 : i32
    %scan3A_28 = arith.constant 32 : i32
    %scan3A_29 = arith.addi %scan3A_27, %scan3A_28 : i32
    %scan3A_30 = arith.constant 1 : i32
    scf.for %scan3A_38 = %scan3A_27 to %scan3A_29 step %scan3A_30  : i32 {
      %mul3A_39 = arith.constant 16 : i32
      %mul3A_40 = arith.muli %scan3A_38, %mul3A_39 : i32
      %get3A = arith.index_cast %mul3A_40 : i32 to index
      %get3A_41 = tpu.vector_load %arg12[%get3A] {strides = array<i32>} : memref<512xi32, #tpu.memory_space<vmem>>, vector<16xi32>,
      %get3A_42 = vector.shape_cast %get3A_41 : vector<16xi32> to vector<16xi32>
      %mul3A_43 = arith.constant 16 : i32
      %mul3A_44 = arith.muli %scan3A_38, %mul3A_43 : i32
      %add3A_45 = arith.constant 0 : i32
      %add3A_46 = arith.addi %mul3A_44, %add3A_45 : i32
      %slice3A = vector.extract_strided_slice %get3A_42 {offsets = [0], sizes = [1], strides = [1]} : vector<16xi32> to vector<1xi32>
      %squeeze3A = vector.extract %slice3A[0] : i32 from vector<1xi32>
      %dma_start3A = arith.constant 0 : i32
      %dma_start3A_47 = tpu.memref_slice %arg13[%add3A_46, %dma_start3A] : memref<512x64xf32, #tpu.memory_space<vmem>> -> memref<1x64xf32, #tpu.memory_space<vmem>>
      %dma_start3A_48 = arith.constant 0 : i32
      %dma_start3A_49 = tpu.memref_slice %arg6[%squeeze3A, %dma_start3A_48] : memref<1000x64xf32, #tpu.memory_space<hbm>> -> memref<1x64xf32, #tpu.memory_space<hbm>>
      %dma_start3A_50 = arith.constant 0 : i32
      %dma_start3A_51 = tpu.memref_slice %arg13[%add3A_46, %dma_start3A_50] : memref<512x64xf32, #tpu.memory_space<vmem>> -> memref<1x64xf32, #tpu.memory_space<vmem>>
      %dma_start3A_52 = arith.constant 0 : i32
      %dma_start3A_53 = tpu.memref_slice %arg6[%squeeze3A, %dma_start3A_52] : memref<1000x64xf32, #tpu.memory_space<hbm>> -> memref<1x64xf32, #tpu.memory_space<hbm>>
      tpu.enqueue_dma source(%dma_start3A_53 : memref<1x64xf32, #tpu.memory_space<hbm>>) target(%dma_start3A_51 : memref<1x64xf32, #tpu.memory_space<vmem>>) target_semaphore(%arg14 : memref<!tpu.dma_semaphore, #tpu.memory_space<semaphore_mem>>)
      %mul3A_54 = arith.constant 16 : i32
      %mul3A_55 = arith.muli %scan3A_38, %mul3A_54 : i32
      %add3A_56 = arith.constant 1 : i32
      %add3A_57 = arith.addi %mul3A_55, %add3A_56 : i32
      %slice3A_58 = vector.extract_strided_slice %get3A_42 {offsets = [1], sizes = [1], strides = [1]} : vector<16xi32> to vector<1xi32>
      %squeeze3A_59 = vector.extract %slice3A_58[0] : i32 from vector<1xi32>
      %dma_start3A_60 = arith.constant 0 : i32
      %dma_start3A_61 = tpu.memref_slice %arg13[%add3A_57, %dma_start3A_60] : memref<512x64xf32, #tpu.memory_space<vmem>> -> memref<1x64xf32, #tpu.memory_space<vmem>>
      %dma_start3A_62 = arith.constant 0 : i32
      %dma_start3A_63 = tpu.memref_slice %arg6[%squeeze3A_59, %dma_start3A_62] : memref<1000x64xf32, #tpu.memory_space<hbm>> -> memref<1x64xf32, #tpu.memory_space<hbm>>
      %dma_start3A_64 = arith.constant 0 : i32
      %dma_start3A_65 = tpu.memref_slice %arg13[%add3A_57, %dma_start3A_64] : memref<512x64xf32, #tpu.memory_space<vmem>> -> memref<1x64xf32, #tpu.memory_space<vmem>>
      %dma_start3A_66 = arith.constant 0 : i32
      %dma_start3A_67 = tpu.memref_slice %arg6[%squeeze3A_59, %dma_start3A_66] : memref<1000x64xf32, #tpu.memory_space<hbm>> -> memref<1x64xf32, #tpu.memory_space<hbm>>
      tpu.enqueue_dma source(%dma_start3A_67 : memref<1x64xf32, #tpu.memory_space<hbm>>) target(%dma_start3A_65 : memref<1x64xf32, #tpu.memory_space<vmem>>) target_semaphore(%arg14 : memref<!tpu.dma_semaphore, #tpu.memory_space<semaphore_mem>>)
      %mul3A_68 = arith.constant 16 : i32
      %mul3A_69 = arith.muli %scan3A_38, %mul3A_68 : i32
      %add3A_70 = arith.constant 2 : i32
      %add3A_71 = arith.addi %mul3A_69, %add3A_70 : i32
      %slice3A_72 = vector.extract_strided_slice %get3A_42 {offsets = [2], sizes = [1], strides = [1]} : vector<16xi32> to vector<1xi32>
      %squeeze3A_73 = vector.extract %slice3A_72[0] : i32 from vector<1xi32>
      %dma_start3A_74 = arith.constant 0 : i32
      %dma_start3A_75 = tpu.memref_slice %arg13[%add3A_71, %dma_start3A_74] : memref<512x64xf32, #tpu.memory_space<vmem>> -> memref<1x64xf32, #tpu.memory_space<vmem>>
      %dma_start3A_76 = arith.constant 0 : i32
      %dma_start3A_77 = tpu.memref_slice %arg6[%squeeze3A_73, %dma_start3A_76] : memref<1000x64xf32, #tpu.memory_space<hbm>> -> memref<1x64xf32, #tpu.memory_space<hbm>>
      %dma_start3A_78 = arith.constant 0 : i32
      %dma_start3A_79 = tpu.memref_slice %arg13[%add3A_71, %dma_start3A_78] : memref<512x64xf32, #tpu.memory_space<vmem>> -> memref<1x64xf32, #tpu.memory_space<vmem>>
      %dma_start3A_80 = arith.constant 0 : i32
      %dma_start3A_81 = tpu.memref_slice %arg6[%squeeze3A_73, %dma_start3A_80] : memref<1000x64xf32, #tpu.memory_space<hbm>> -> memref<1x64xf32, #tpu.memory_space<hbm>>
      tpu.enqueue_dma source(%dma_start3A_81 : memref<1x64xf32, #tpu.memory_space<hbm>>) target(%dma_start3A_79 : memref<1x64xf32, #tpu.memory_space<vmem>>) target_semaphore(%arg14 : memref<!tpu.dma_semaphore, #tpu.memory_space<semaphore_mem>>)
      %mul3A_82 = arith.constant 16 : i32
      %mul3A_83 = arith.muli %scan3A_38, %mul3A_82 : i32
      %add3A_84 = arith.constant 3 : i32
      %add3A_85 = arith.addi %mul3A_83, %add3A_84 : i32
      %slice3A_86 = vector.extract_strided_slice %get3A_42 {offsets = [3], sizes = [1], strides = [1]} : vector<16xi32> to vector<1xi32>
      %squeeze3A_87 = vector.extract %slice3A_86[0] : i32 from vector<1xi32>
      %dma_start3A_88 = arith.constant 0 : i32
      %dma_start3A_89 = tpu.memref_slice %arg13[%add3A_85, %dma_start3A_88] : memref<512x64xf32, #tpu.memory_space<vmem>> -> memref<1x64xf32, #tpu.memory_space<vmem>>
      %dma_start3A_90 = arith.constant 0 : i32
      %dma_start3A_91 = tpu.memref_slice %arg6[%squeeze3A_87, %dma_start3A_90] : memref<1000x64xf32, #tpu.memory_space<hbm>> -> memref<1x64xf32, #tpu.memory_space<hbm>>
      %dma_start3A_92 = arith.constant 0 : i32
      %dma_start3A_93 = tpu.memref_slice %arg13[%add3A_85, %dma_start3A_92] : memref<512x64xf32, #tpu.memory_space<vmem>> -> memref<1x64xf32, #tpu.memory_space<vmem>>
      %dma_start3A_94 = arith.constant 0 : i32
      %dma_start3A_95 = tpu.memref_slice %arg6[%squeeze3A_87, %dma_start3A_94] : memref<1000x64xf32, #tpu.memory_space<hbm>> -> memref<1x64xf32, #tpu.memory_space<hbm>>
      tpu.enqueue_dma source(%dma_start3A_95 : memref<1x64xf32, #tpu.memory_space<hbm>>) target(%dma_start3A_93 : memref<1x64xf32, #tpu.memory_space<vmem>>) target_semaphore(%arg14 : memref<!tpu.dma_semaphore, #tpu.memory_space<semaphore_mem>>)
      %mul3A_96 = arith.constant 16 : i32
      %mul3A_97 = arith.muli %scan3A_38, %mul3A_96 : i32
      %add3A_98 = arith.constant 4 : i32
      %add3A_99 = arith.addi %mul3A_97, %add3A_98 : i32
      %slice3A_100 = vector.extract_strided_slice %get3A_42 {offsets = [4], sizes = [1], strides = [1]} : vector<16xi32> to vector<1xi32>
      %squeeze3A_101 = vector.extract %slice3A_100[0] : i32 from vector<1xi32>
      %dma_start3A_102 = arith.constant 0 : i32
      %dma_start3A_103 = tpu.memref_slice %arg13[%add3A_99, %dma_start3A_102] : memref<512x64xf32, #tpu.memory_space<vmem>> -> memref<1x64xf32, #tpu.memory_space<vmem>>
      %dma_start3A_104 = arith.constant 0 : i32
      %dma_start3A_105 = tpu.memref_slice %arg6[%squeeze3A_101, %dma_start3A_104] : memref<1000x64xf32, #tpu.memory_space<hbm>> -> memref<1x64xf32, #tpu.memory_space<hbm>>
      %dma_start3A_106 = arith.constant 0 : i32
      %dma_start3A_107 = tpu.memref_slice %arg13[%add3A_99, %dma_start3A_106] : memref<512x64xf32, #tpu.memory_space<vmem>> -> memref<1x64xf32, #tpu.memory_space<vmem>>
      %dma_start3A_108 = arith.constant 0 : i32
      %dma_start3A_109 = tpu.memref_slice %arg6[%squeeze3A_101, %dma_start3A_108] : memref<1000x64xf32, #tpu.memory_space<hbm>> -> memref<1x64xf32, #tpu.memory_space<hbm>>
      tpu.enqueue_dma source(%dma_start3A_109 : memref<1x64xf32, #tpu.memory_space<hbm>>) target(%dma_start3A_107 : memref<1x64xf32, #tpu.memory_space<vmem>>) target_semaphore(%arg14 : memref<!tpu.dma_semaphore, #tpu.memory_space<semaphore_mem>>)
      %mul3A_110 = arith.constant 16 : i32
      %mul3A_111 = arith.muli %scan3A_38, %mul3A_110 : i32
      %add3A_112 = arith.constant 5 : i32
      %add3A_113 = arith.addi %mul3A_111, %add3A_112 : i32
      %slice3A_114 = vector.extract_strided_slice %get3A_42 {offsets = [5], sizes = [1], strides = [1]} : vector<16xi32> to vector<1xi32>
      %squeeze3A_115 = vector.extract %slice3A_114[0] : i32 from vector<1xi32>
      %dma_start3A_116 = arith.constant 0 : i32
      %dma_start3A_117 = tpu.memref_slice %arg13[%add3A_113, %dma_start3A_116] : memref<512x64xf32, #tpu.memory_space<vmem>> -> memref<1x64xf32, #tpu.memory_space<vmem>>
      %dma_start3A_118 = arith.constant 0 : i32
      %dma_start3A_119 = tpu.memref_slice %arg6[%squeeze3A_115, %dma_start3A_118] : memref<1000x64xf32, #tpu.memory_space<hbm>> -> memref<1x64xf32, #tpu.memory_space<hbm>>
      %dma_start3A_120 = arith.constant 0 : i32
      %dma_start3A_121 = tpu.memref_slice %arg13[%add3A_113, %dma_start3A_120] : memref<512x64xf32, #tpu.memory_space<vmem>> -> memref<1x64xf32, #tpu.memory_space<vmem>>
      %dma_start3A_122 = arith.constant 0 : i32
      %dma_start3A_123 = tpu.memref_slice %arg6[%squeeze3A_115, %dma_start3A_122] : memref<1000x64xf32, #tpu.memory_space<hbm>> -> memref<1x64xf32, #tpu.memory_space<hbm>>
      tpu.enqueue_dma source(%dma_start3A_123 : memref<1x64xf32, #tpu.memory_space<hbm>>) target(%dma_start3A_121 : memref<1x64xf32, #tpu.memory_space<vmem>>) target_semaphore(%arg14 : memref<!tpu.dma_semaphore, #tpu.memory_space<semaphore_mem>>)
      %mul3A_124 = arith.constant 16 : i32
      %mul3A_125 = arith.muli %scan3A_38, %mul3A_124 : i32
      %add3A_126 = arith.constant 6 : i32
      %add3A_127 = arith.addi %mul3A_125, %add3A_126 : i32
      %slice3A_128 = vector.extract_strided_slice %get3A_42 {offsets = [6], sizes = [1], strides = [1]} : vector<16xi32> to vector<1xi32>
      %squeeze3A_129 = vector.extract %slice3A_128[0] : i32 from vector<1xi32>
      %dma_start3A_130 = arith.constant 0 : i32
      %dma_start3A_131 = tpu.memref_slice %arg13[%add3A_127, %dma_start3A_130] : memref<512x64xf32, #tpu.memory_space<vmem>> -> memref<1x64xf32, #tpu.memory_space<vmem>>
      %dma_start3A_132 = arith.constant 0 : i32
      %dma_start3A_133 = tpu.memref_slice %arg6[%squeeze3A_129, %dma_start3A_132] : memref<1000x64xf32, #tpu.memory_space<hbm>> -> memref<1x64xf32, #tpu.memory_space<hbm>>
      %dma_start3A_134 = arith.constant 0 : i32
      %dma_start3A_135 = tpu.memref_slice %arg13[%add3A_127, %dma_start3A_134] : memref<512x64xf32, #tpu.memory_space<vmem>> -> memref<1x64xf32, #tpu.memory_space<vmem>>
      %dma_start3A_136 = arith.constant 0 : i32
      %dma_start3A_137 = tpu.memref_slice %arg6[%squeeze3A_129, %dma_start3A_136] : memref<1000x64xf32, #tpu.memory_space<hbm>> -> memref<1x64xf32, #tpu.memory_space<hbm>>
      tpu.enqueue_dma source(%dma_start3A_137 : memref<1x64xf32, #tpu.memory_space<hbm>>) target(%dma_start3A_135 : memref<1x64xf32, #tpu.memory_space<vmem>>) target_semaphore(%arg14 : memref<!tpu.dma_semaphore, #tpu.memory_space<semaphore_mem>>)
      %mul3A_138 = arith.constant 16 : i32
      %mul3A_139 = arith.muli %scan3A_38, %mul3A_138 : i32
      %add3A_140 = arith.constant 7 : i32
      %add3A_141 = arith.addi %mul3A_139, %add3A_140 : i32
      %slice3A_142 = vector.extract_strided_slice %get3A_42 {offsets = [7], sizes = [1], strides = [1]} : vector<16xi32> to vector<1xi32>
      %squeeze3A_143 = vector.extract %slice3A_142[0] : i32 from vector<1xi32>
      %dma_start3A_144 = arith.constant 0 : i32
      %dma_start3A_145 = tpu.memref_slice %arg13[%add3A_141, %dma_start3A_144] : memref<512x64xf32, #tpu.memory_space<vmem>> -> memref<1x64xf32, #tpu.memory_space<vmem>>
      %dma_start3A_146 = arith.constant 0 : i32
      %dma_start3A_147 = tpu.memref_slice %arg6[%squeeze3A_143, %dma_start3A_146] : memref<1000x64xf32, #tpu.memory_space<hbm>> -> memref<1x64xf32, #tpu.memory_space<hbm>>
      %dma_start3A_148 = arith.constant 0 : i32
      %dma_start3A_149 = tpu.memref_slice %arg13[%add3A_141, %dma_start3A_148] : memref<512x64xf32, #tpu.memory_space<vmem>> -> memref<1x64xf32, #tpu.memory_space<vmem>>
      %dma_start3A_150 = arith.constant 0 : i32
      %dma_start3A_151 = tpu.memref_slice %arg6[%squeeze3A_143, %dma_start3A_150] : memref<1000x64xf32, #tpu.memory_space<hbm>> -> memref<1x64xf32, #tpu.memory_space<hbm>>
      tpu.enqueue_dma source(%dma_start3A_151 : memref<1x64xf32, #tpu.memory_space<hbm>>) target(%dma_start3A_149 : memref<1x64xf32, #tpu.memory_space<vmem>>) target_semaphore(%arg14 : memref<!tpu.dma_semaphore, #tpu.memory_space<semaphore_mem>>)
      %mul3A_152 = arith.constant 16 : i32
      %mul3A_153 = arith.muli %scan3A_38, %mul3A_152 : i32
      %add3A_154 = arith.constant 8 : i32
      %add3A_155 = arith.addi %mul3A_153, %add3A_154 : i32
      %slice3A_156 = vector.extract_strided_slice %get3A_42 {offsets = [8], sizes = [1], strides = [1]} : vector<16xi32> to vector<1xi32>
      %squeeze3A_157 = vector.extract %slice3A_156[0] : i32 from vector<1xi32>
      %dma_start3A_158 = arith.constant 0 : i32
      %dma_start3A_159 = tpu.memref_slice %arg13[%add3A_155, %dma_start3A_158] : memref<512x64xf32, #tpu.memory_space<vmem>> -> memref<1x64xf32, #tpu.memory_space<vmem>>
      %dma_start3A_160 = arith.constant 0 : i32
      %dma_start3A_161 = tpu.memref_slice %arg6[%squeeze3A_157, %dma_start3A_160] : memref<1000x64xf32, #tpu.memory_space<hbm>> -> memref<1x64xf32, #tpu.memory_space<hbm>>
      %dma_start3A_162 = arith.constant 0 : i32
      %dma_start3A_163 = tpu.memref_slice %arg13[%add3A_155, %dma_start3A_162] : memref<512x64xf32, #tpu.memory_space<vmem>> -> memref<1x64xf32, #tpu.memory_space<vmem>>
      %dma_start3A_164 = arith.constant 0 : i32
      %dma_start3A_165 = tpu.memref_slice %arg6[%squeeze3A_157, %dma_start3A_164] : memref<1000x64xf32, #tpu.memory_space<hbm>> -> memref<1x64xf32, #tpu.memory_space<hbm>>
      tpu.enqueue_dma source(%dma_start3A_165 : memref<1x64xf32, #tpu.memory_space<hbm>>) target(%dma_start3A_163 : memref<1x64xf32, #tpu.memory_space<vmem>>) target_semaphore(%arg14 : memref<!tpu.dma_semaphore, #tpu.memory_space<semaphore_mem>>)
      %mul3A_166 = arith.constant 16 : i32
      %mul3A_167 = arith.muli %scan3A_38, %mul3A_166 : i32
      %add3A_168 = arith.constant 9 : i32
      %add3A_169 = arith.addi %mul3A_167, %add3A_168 : i32
      %slice3A_170 = vector.extract_strided_slice %get3A_42 {offsets = [9], sizes = [1], strides = [1]} : vector<16xi32> to vector<1xi32>
      %squeeze3A_171 = vector.extract %slice3A_170[0] : i32 from vector<1xi32>
      %dma_start3A_172 = arith.constant 0 : i32
      %dma_start3A_173 = tpu.memref_slice %arg13[%add3A_169, %dma_start3A_172] : memref<512x64xf32, #tpu.memory_space<vmem>> -> memref<1x64xf32, #tpu.memory_space<vmem>>
      %dma_start3A_174 = arith.constant 0 : i32
      %dma_start3A_175 = tpu.memref_slice %arg6[%squeeze3A_171, %dma_start3A_174] : memref<1000x64xf32, #tpu.memory_space<hbm>> -> memref<1x64xf32, #tpu.memory_space<hbm>>
      %dma_start3A_176 = arith.constant 0 : i32
      %dma_start3A_177 = tpu.memref_slice %arg13[%add3A_169, %dma_start3A_176] : memref<512x64xf32, #tpu.memory_space<vmem>> -> memref<1x64xf32, #tpu.memory_space<vmem>>
      %dma_start3A_178 = arith.constant 0 : i32
      %dma_start3A_179 = tpu.memref_slice %arg6[%squeeze3A_171, %dma_start3A_178] : memref<1000x64xf32, #tpu.memory_space<hbm>> -> memref<1x64xf32, #tpu.memory_space<hbm>>
      tpu.enqueue_dma source(%dma_start3A_179 : memref<1x64xf32, #tpu.memory_space<hbm>>) target(%dma_start3A_177 : memref<1x64xf32, #tpu.memory_space<vmem>>) target_semaphore(%arg14 : memref<!tpu.dma_semaphore, #tpu.memory_space<semaphore_mem>>)
      %mul3A_180 = arith.constant 16 : i32
      %mul3A_181 = arith.muli %scan3A_38, %mul3A_180 : i32
      %add3A_182 = arith.constant 10 : i32
      %add3A_183 = arith.addi %mul3A_181, %add3A_182 : i32
      %slice3A_184 = vector.extract_strided_slice %get3A_42 {offsets = [10], sizes = [1], strides = [1]} : vector<16xi32> to vector<1xi32>
      %squeeze3A_185 = vector.extract %slice3A_184[0] : i32 from vector<1xi32>
      %dma_start3A_186 = arith.constant 0 : i32
      %dma_start3A_187 = tpu.memref_slice %arg13[%add3A_183, %dma_start3A_186] : memref<512x64xf32, #tpu.memory_space<vmem>> -> memref<1x64xf32, #tpu.memory_space<vmem>>
      %dma_start3A_188 = arith.constant 0 : i32
      %dma_start3A_189 = tpu.memref_slice %arg6[%squeeze3A_185, %dma_start3A_188] : memref<1000x64xf32, #tpu.memory_space<hbm>> -> memref<1x64xf32, #tpu.memory_space<hbm>>
      %dma_start3A_190 = arith.constant 0 : i32
      %dma_start3A_191 = tpu.memref_slice %arg13[%add3A_183, %dma_start3A_190] : memref<512x64xf32, #tpu.memory_space<vmem>> -> memref<1x64xf32, #tpu.memory_space<vmem>>
      %dma_start3A_192 = arith.constant 0 : i32
      %dma_start3A_193 = tpu.memref_slice %arg6[%squeeze3A_185, %dma_start3A_192] : memref<1000x64xf32, #tpu.memory_space<hbm>> -> memref<1x64xf32, #tpu.memory_space<hbm>>
      tpu.enqueue_dma source(%dma_start3A_193 : memref<1x64xf32, #tpu.memory_space<hbm>>) target(%dma_start3A_191 : memref<1x64xf32, #tpu.memory_space<vmem>>) target_semaphore(%arg14 : memref<!tpu.dma_semaphore, #tpu.memory_space<semaphore_mem>>)
      %mul3A_194 = arith.constant 16 : i32
      %mul3A_195 = arith.muli %scan3A_38, %mul3A_194 : i32
      %add3A_196 = arith.constant 11 : i32
      %add3A_197 = arith.addi %mul3A_195, %add3A_196 : i32
      %slice3A_198 = vector.extract_strided_slice %get3A_42 {offsets = [11], sizes = [1], strides = [1]} : vector<16xi32> to vector<1xi32>
      %squeeze3A_199 = vector.extract %slice3A_198[0] : i32 from vector<1xi32>
      %dma_start3A_200 = arith.constant 0 : i32
      %dma_start3A_201 = tpu.memref_slice %arg13[%add3A_197, %dma_start3A_200] : memref<512x64xf32, #tpu.memory_space<vmem>> -> memref<1x64xf32, #tpu.memory_space<vmem>>
      %dma_start3A_202 = arith.constant 0 : i32
      %dma_start3A_203 = tpu.memref_slice %arg6[%squeeze3A_199, %dma_start3A_202] : memref<1000x64xf32, #tpu.memory_space<hbm>> -> memref<1x64xf32, #tpu.memory_space<hbm>>
      %dma_start3A_204 = arith.constant 0 : i32
      %dma_start3A_205 = tpu.memref_slice %arg13[%add3A_197, %dma_start3A_204] : memref<512x64xf32, #tpu.memory_space<vmem>> -> memref<1x64xf32, #tpu.memory_space<vmem>>
      %dma_start3A_206 = arith.constant 0 : i32
      %dma_start3A_207 = tpu.memref_slice %arg6[%squeeze3A_199, %dma_start3A_206] : memref<1000x64xf32, #tpu.memory_space<hbm>> -> memref<1x64xf32, #tpu.memory_space<hbm>>
      tpu.enqueue_dma source(%dma_start3A_207 : memref<1x64xf32, #tpu.memory_space<hbm>>) target(%dma_start3A_205 : memref<1x64xf32, #tpu.memory_space<vmem>>) target_semaphore(%arg14 : memref<!tpu.dma_semaphore, #tpu.memory_space<semaphore_mem>>)
      %mul3A_208 = arith.constant 16 : i32
      %mul3A_209 = arith.muli %scan3A_38, %mul3A_208 : i32
      %add3A_210 = arith.constant 12 : i32
      %add3A_211 = arith.addi %mul3A_209, %add3A_210 : i32
      %slice3A_212 = vector.extract_strided_slice %get3A_42 {offsets = [12], sizes = [1], strides = [1]} : vector<16xi32> to vector<1xi32>
      %squeeze3A_213 = vector.extract %slice3A_212[0] : i32 from vector<1xi32>
      %dma_start3A_214 = arith.constant 0 : i32
      %dma_start3A_215 = tpu.memref_slice %arg13[%add3A_211, %dma_start3A_214] : memref<512x64xf32, #tpu.memory_space<vmem>> -> memref<1x64xf32, #tpu.memory_space<vmem>>
      %dma_start3A_216 = arith.constant 0 : i32
      %dma_start3A_217 = tpu.memref_slice %arg6[%squeeze3A_213, %dma_start3A_216] : memref<1000x64xf32, #tpu.memory_space<hbm>> -> memref<1x64xf32, #tpu.memory_space<hbm>>
      %dma_start3A_218 = arith.constant 0 : i32
      %dma_start3A_219 = tpu.memref_slice %arg13[%add3A_211, %dma_start3A_218] : memref<512x64xf32, #tpu.memory_space<vmem>> -> memref<1x64xf32, #tpu.memory_space<vmem>>
      %dma_start3A_220 = arith.constant 0 : i32
      %dma_start3A_221 = tpu.memref_slice %arg6[%squeeze3A_213, %dma_start3A_220] : memref<1000x64xf32, #tpu.memory_space<hbm>> -> memref<1x64xf32, #tpu.memory_space<hbm>>
      tpu.enqueue_dma source(%dma_start3A_221 : memref<1x64xf32, #tpu.memory_space<hbm>>) target(%dma_start3A_219 : memref<1x64xf32, #tpu.memory_space<vmem>>) target_semaphore(%arg14 : memref<!tpu.dma_semaphore, #tpu.memory_space<semaphore_mem>>)
      %mul3A_222 = arith.constant 16 : i32
      %mul3A_223 = arith.muli %scan3A_38, %mul3A_222 : i32
      %add3A_224 = arith.constant 13 : i32
      %add3A_225 = arith.addi %mul3A_223, %add3A_224 : i32
      %slice3A_226 = vector.extract_strided_slice %get3A_42 {offsets = [13], sizes = [1], strides = [1]} : vector<16xi32> to vector<1xi32>
      %squeeze3A_227 = vector.extract %slice3A_226[0] : i32 from vector<1xi32>
      %dma_start3A_228 = arith.constant 0 : i32
      %dma_start3A_229 = tpu.memref_slice %arg13[%add3A_225, %dma_start3A_228] : memref<512x64xf32, #tpu.memory_space<vmem>> -> memref<1x64xf32, #tpu.memory_space<vmem>>
      %dma_start3A_230 = arith.constant 0 : i32
      %dma_start3A_231 = tpu.memref_slice %arg6[%squeeze3A_227, %dma_start3A_230] : memref<1000x64xf32, #tpu.memory_space<hbm>> -> memref<1x64xf32, #tpu.memory_space<hbm>>
      %dma_start3A_232 = arith.constant 0 : i32
      %dma_start3A_233 = tpu.memref_slice %arg13[%add3A_225, %dma_start3A_232] : memref<512x64xf32, #tpu.memory_space<vmem>> -> memref<1x64xf32, #tpu.memory_space<vmem>>
      %dma_start3A_234 = arith.constant 0 : i32
      %dma_start3A_235 = tpu.memref_slice %arg6[%squeeze3A_227, %dma_start3A_234] : memref<1000x64xf32, #tpu.memory_space<hbm>> -> memref<1x64xf32, #tpu.memory_space<hbm>>
      tpu.enqueue_dma source(%dma_start3A_235 : memref<1x64xf32, #tpu.memory_space<hbm>>) target(%dma_start3A_233 : memref<1x64xf32, #tpu.memory_space<vmem>>) target_semaphore(%arg14 : memref<!tpu.dma_semaphore, #tpu.memory_space<semaphore_mem>>)
      %mul3A_236 = arith.constant 16 : i32
      %mul3A_237 = arith.muli %scan3A_38, %mul3A_236 : i32
      %add3A_238 = arith.constant 14 : i32
      %add3A_239 = arith.addi %mul3A_237, %add3A_238 : i32
      %slice3A_240 = vector.extract_strided_slice %get3A_42 {offsets = [14], sizes = [1], strides = [1]} : vector<16xi32> to vector<1xi32>
      %squeeze3A_241 = vector.extract %slice3A_240[0] : i32 from vector<1xi32>
      %dma_start3A_242 = arith.constant 0 : i32
      %dma_start3A_243 = tpu.memref_slice %arg13[%add3A_239, %dma_start3A_242] : memref<512x64xf32, #tpu.memory_space<vmem>> -> memref<1x64xf32, #tpu.memory_space<vmem>>
      %dma_start3A_244 = arith.constant 0 : i32
      %dma_start3A_245 = tpu.memref_slice %arg6[%squeeze3A_241, %dma_start3A_244] : memref<1000x64xf32, #tpu.memory_space<hbm>> -> memref<1x64xf32, #tpu.memory_space<hbm>>
      %dma_start3A_246 = arith.constant 0 : i32
      %dma_start3A_247 = tpu.memref_slice %arg13[%add3A_239, %dma_start3A_246] : memref<512x64xf32, #tpu.memory_space<vmem>> -> memref<1x64xf32, #tpu.memory_space<vmem>>
      %dma_start3A_248 = arith.constant 0 : i32
      %dma_start3A_249 = tpu.memref_slice %arg6[%squeeze3A_241, %dma_start3A_248] : memref<1000x64xf32, #tpu.memory_space<hbm>> -> memref<1x64xf32, #tpu.memory_space<hbm>>
      tpu.enqueue_dma source(%dma_start3A_249 : memref<1x64xf32, #tpu.memory_space<hbm>>) target(%dma_start3A_247 : memref<1x64xf32, #tpu.memory_space<vmem>>) target_semaphore(%arg14 : memref<!tpu.dma_semaphore, #tpu.memory_space<semaphore_mem>>)
      %mul3A_250 = arith.constant 16 : i32
      %mul3A_251 = arith.muli %scan3A_38, %mul3A_250 : i32
      %add3A_252 = arith.constant 15 : i32
      %add3A_253 = arith.addi %mul3A_251, %add3A_252 : i32
      %slice3A_254 = vector.extract_strided_slice %get3A_42 {offsets = [15], sizes = [1], strides = [1]} : vector<16xi32> to vector<1xi32>
      %squeeze3A_255 = vector.extract %slice3A_254[0] : i32 from vector<1xi32>
      %dma_start3A_256 = arith.constant 0 : i32
      %dma_start3A_257 = tpu.memref_slice %arg13[%add3A_253, %dma_start3A_256] : memref<512x64xf32, #tpu.memory_space<vmem>> -> memref<1x64xf32, #tpu.memory_space<vmem>>
      %dma_start3A_258 = arith.constant 0 : i32
      %dma_start3A_259 = tpu.memref_slice %arg6[%squeeze3A_255, %dma_start3A_258] : memref<1000x64xf32, #tpu.memory_space<hbm>> -> memref<1x64xf32, #tpu.memory_space<hbm>>
      %dma_start3A_260 = arith.constant 0 : i32
      %dma_start3A_261 = tpu.memref_slice %arg13[%add3A_253, %dma_start3A_260] : memref<512x64xf32, #tpu.memory_space<vmem>> -> memref<1x64xf32, #tpu.memory_space<vmem>>
      %dma_start3A_262 = arith.constant 0 : i32
      %dma_start3A_263 = tpu.memref_slice %arg6[%squeeze3A_255, %dma_start3A_262] : memref<1000x64xf32, #tpu.memory_space<hbm>> -> memref<1x64xf32, #tpu.memory_space<hbm>>
      tpu.enqueue_dma source(%dma_start3A_263 : memref<1x64xf32, #tpu.memory_space<hbm>>) target(%dma_start3A_261 : memref<1x64xf32, #tpu.memory_space<vmem>>) target_semaphore(%arg14 : memref<!tpu.dma_semaphore, #tpu.memory_space<semaphore_mem>>)
    }
    %scan3A_31 = arith.constant 32 : i32
    %scan3A_32 = arith.constant 0 : i32
    %scan3A_33 = arith.constant 0 : i32
    %scan3A_34 = arith.constant 512 : i32
    %scan3A_35 = arith.addi %scan3A_33, %scan3A_34 : i32
    %scan3A_36 = arith.constant 1 : i32
    scf.for %scan3A_38 = %scan3A_33 to %scan3A_35 step %scan3A_36  : i32 {
      %dma_wait3A = arith.constant 0 : i32
      %dma_wait3A_39 = arith.constant 0 : i32
      %dma_wait3A_40 = tpu.memref_slice %arg13[%dma_wait3A, %dma_wait3A_39] : memref<512x64xf32, #tpu.memory_space<vmem>> -> memref<1x64xf32, #tpu.memory_space<vmem>>
      %dma_wait3A_41 = arith.constant 0 : i32
      %dma_wait3A_42 = arith.constant 0 : i32
      %dma_wait3A_43 = tpu.memref_slice %arg6[%dma_wait3A_41, %dma_wait3A_42] : memref<1000x64xf32, #tpu.memory_space<hbm>> -> memref<1x64xf32, #tpu.memory_space<hbm>>
      %dma_wait3A_44 = arith.constant 0 : i32
      %dma_wait3A_45 = arith.constant 0 : i32
      %dma_wait3A_46 = tpu.memref_slice %arg13[%dma_wait3A_44, %dma_wait3A_45] : memref<512x64xf32, #tpu.memory_space<vmem>> -> memref<1x64xf32, #tpu.memory_space<vmem>>
      %dma_wait3A_47 = arith.constant 0 : i32
      %dma_wait3A_48 = arith.constant 0 : i32
      %dma_wait3A_49 = tpu.memref_slice %arg6[%dma_wait3A_47, %dma_wait3A_48] : memref<1000x64xf32, #tpu.memory_space<hbm>> -> memref<1x64xf32, #tpu.memory_space<hbm>>
      tpu.wait_dma2 semaphore(%arg14 : memref<!tpu.dma_semaphore, #tpu.memory_space<semaphore_mem>>) src(%dma_wait3A_49 : memref<1x64xf32, #tpu.memory_space<hbm>>) dst(%dma_wait3A_46 : memref<1x64xf32, #tpu.memory_space<vmem>>)
    }
    %scan3A_37 = arith.constant 512 : i32
    "tpu.region"() ({
      %run_scoped3A = tpu.sem_alloc : memref<!tpu.dma_semaphore, #tpu.memory_space<semaphore_mem>>
      %dma_start3A = arith.constant 0 : i32
      %dma_start3A_38 = tpu.memref_slice %arg9[%mul3A_2, %dma_start3A] : memref<16384x64xf32, #tpu.memory_space<hbm>> -> memref<512x64xf32, #tpu.memory_space<hbm>>
      %dma_start3A_39 = arith.constant 0 : i32
      %dma_start3A_40 = tpu.memref_slice %arg9[%mul3A_2, %dma_start3A_39] : memref<16384x64xf32, #tpu.memory_space<hbm>> -> memref<512x64xf32, #tpu.memory_space<hbm>>
      tpu.enqueue_dma source(%arg13 : memref<512x64xf32, #tpu.memory_space<vmem>>) target(%dma_start3A_40 : memref<512x64xf32, #tpu.memory_space<hbm>>) target_semaphore(%run_scoped3A : memref<!tpu.dma_semaphore, #tpu.memory_space<semaphore_mem>>)
      %dma_wait3A = arith.constant 0 : i32
      %dma_wait3A_41 = tpu.memref_slice %arg9[%mul3A_2, %dma_wait3A] : memref<16384x64xf32, #tpu.memory_space<hbm>> -> memref<512x64xf32, #tpu.memory_space<hbm>>
      %dma_wait3A_42 = arith.constant 0 : i32
      %dma_wait3A_43 = tpu.memref_slice %arg9[%mul3A_2, %dma_wait3A_42] : memref<16384x64xf32, #tpu.memory_space<hbm>> -> memref<512x64xf32, #tpu.memory_space<hbm>>
      tpu.wait_dma2 semaphore(%run_scoped3A : memref<!tpu.dma_semaphore, #tpu.memory_space<semaphore_mem>>) src(%arg13 : memref<512x64xf32, #tpu.memory_space<vmem>>) dst(%dma_wait3A_43 : memref<512x64xf32, #tpu.memory_space<hbm>>)
      tpu.yield
    }) : () -> ()
    return
  }
}

</mosaic_0001>

<sc_bundles>
// kernel: kernel.3.cloned.1.call-start
scs
__scs_entry_jumppad:
0x0: {  	(pc) =	sbr.rel $0x88, $3  }
0x1: {  	(tag) =	ssettag $0x0;
	lr =	simm.s32 $0x1  }
0x2: {  	[smem:$0x3F9C] =	sst lr;
	_ =	strace $0xD0000000  }
0x3: {  	_ = 	snop  }
0x4: {  	_ = 	snop  }
0x5: {  	_ = 	snop  }
0x6: {  	_ = 	snop  }
0x7: {  	_ = 	snop  }
__scs_overlays_trampoline_lowered:
0x8: {  	[smem:$0x3FAB] =	sst s0  }
0x9: {  	[smem:$0x3FAC] =	sst s1  }
0xa: {  	[smem:$0x3FAD] =	sst s2  }
0xb: {  	[smem:$0x3FAE] =	sst s3  }
0xc: {  	[smem:$0x3FAF] =	sst s4  }
0xd: {  	[smem:$0x3FB0] =	sst s5  }
0xe: {  	[smem:$0x3FB1] =	sst s6  }
0xf: {  	[smem:$0x3FB2] =	sst s7  }
0x10: {  	[smem:$0x3FB3] =	sst s8  }
0x11: {  	[smem:$0x3FB4] =	sst s9;
	s0 =	simm.s32 @!p0 $0x0  }
0x12: {  	s1 =	sld [smem:$0x3F9A];
	s0 =	simm.s32 @p0 $0x1  }
0x13: {  	[smem:$0x3FB5] =	sst s0;
	s0 =	simm.s32 @!p1 $0x0  }
0x14: {  	s2 =	sld [smem:$0x3F99];
	s0 =	simm.s32 @p1 $0x1  }
0x15: {  	[smem:$0x3FB6] =	sst s0;
	s0 =	simm.s32 @!p2 $0x0  }
0x16: {  	s3 =	sld [smem:$0x3FDB];
	s0 =	simm.s32 @p2 $0x1  }
0x17: {  	s4 =	simm.s32 $0x1BF5;
	[smem:$0x3FB8] =	sst s0  }
0x18: {  	s0 =	sld [smem:$0x3F9B];
	_ =	swait.ge [sflag:s4], $0x0  }
0x19: {  	s7 =	sld [smem:$0x3F9C]  }
0x1a: {  	s8 =	sadd.s32 $0xFFFFE003, lr  }
0x1b: {  	s9 =	sadd.s32 $0xFFFFFEF7, lr;
	s5 =	simm.s32 $0xFFFFFFFF;
	p2 =	slt.u32 s8, $0xFFFFF086  }
0x1c: {  	p1 =	slt.u32 s9, $0xF7A;
	s5 =	simm.s32 @!p2 $0x0  }
0x1d: {  	s5 =	simm.s32 @p1 $0x1;
	p0 =	seq.s32 s7, s2  }
0x1e: {  	s7 =	smul.u32 @!p0 $0xF7A, s2;
	p2 =	seq.s32 @!p0 s5, $0x0  }
0x1f: {  	s9 =	smul.u32 $0xF7A, s1;
	s8 =	simm.s32 @!p0 $0x1BF5;
	p2 =	por !p2, p0  }
0x20: {  	[sflag:s8] =	ssyncset.s32 @!p0 $0xFFFFF086;
	s6 =	sadd.s32 @!p0 s3, s7;
	s7 =	simm.s32 @!p0 $0x108  }
0x21: {  	s3 =	sadd.s32 s3, s9;
	s6 =	sadd.s32 @!p0 $0x88, s6;
	s7 =	simm.s32 @p2 $0x1082  }
0x22: {  	[simem:s7], [sflag:s8] =	dma.local @!p0 [hbm:s6], $0xF7A  }
0x23: {  	s9 =	sor.u32 $0xD0000000, s2;
	s6 =	simm.s32 $0x108;
	_ =	swait.ge @!p0 [sflag:s8], $0x0  }
0x24: {  	s3 =	sadd.s32 $0x88, s3;
	s6 =	simm.s32 @!p1 $0x1082;
	[sflag:s4] =	ssyncset.s32 $0xFFFFF086  }
0x25: {  	[simem:s6], [sflag:s4] =	dma.local [hbm:s3], $0xF7A  }
0x26: {  	[smem:$0x3F9C] =	sst s1;
	(tag) =	ssettag s2;
	_ =	strace s9  }
0x27: {  	s1 =	sld [smem:$0x3FAC]  }
0x28: {  	s2 =	sld [smem:$0x3FAD]  }
0x29: {  	s4 =	sld [smem:$0x3FAF]  }
0x2a: {  	p0 =	seq.s32 s5, $0x0;
	s5 =	sld [smem:$0x3FB0]  }
0x2b: {  	s6 =	sld [smem:$0x3FB1]  }
0x2c: {  	s7 =	sld [smem:$0x3FB2]  }
0x2d: {  	s3 =	simm.s32 $0x108;
	s8 =	sld [smem:$0x3FB3]  }
0x2e: {  	s3 =	simm.s32 @!p0 $0x1082;
	s9 =	sld [smem:$0x3FB4]  }
0x2f: {  	lr =	sadd.s32 s0, s3;
	s0 =	sld [smem:$0x3FAB]  }
0x30: {  	s3 =	sld [smem:$0x3FAE]  }
0x31: {  	[smem:$0x3FB7] =	sst s10  }
0x32: {  	s10 =	sld [smem:$0x3FB5];
	_ =	sdelay $0x3  }
0x33: {  	p0 =	seq.s32 s10, $0x1;
	s10 =	sld [smem:$0x3FB7];
	_ =	sdelay $0x3  }
0x34: {  	[smem:$0x3FB7] =	sst s10  }
0x35: {  	s10 =	sld [smem:$0x3FB6];
	_ =	sdelay $0x3  }
0x36: {  	p1 =	seq.s32 s10, $0x1;
	s10 =	sld [smem:$0x3FB7];
	_ =	sdelay $0x3  }
0x37: {  	[smem:$0x3FB7] =	sst s10  }
0x38: {  	s10 =	sld [smem:$0x3FB8]  }
0x39: {  	_ = 	snop;
	(pc) =	sbr.ind lr, $3  }
0x3a: {  	_ = 	snop  }
0x3b: {  	_ = 	snop  }
0x3c: {  	p2 =	seq.s32 s10, $0x1;
	s10 =	sld [smem:$0x3FB7]  }
0x3d: {  	_ =	shalt  }
0x3e: {  	_ =	shalt  }
0x3f: {  	_ =	shalt  }
0x40: {  	_ =	shalt  }
0x41: {  	_ =	shalt  }
0x42: {  	_ =	shalt  }
0x43: {  	_ =	shalt  }
0x44: {  	_ =	shalt  }
0x45: {  	_ =	shalt  }
0x46: {  	_ =	shalt  }
0x47: {  	_ =	shalt  }
0x48: {  	_ =	shalt  }
0x49: {  	_ =	shalt  }
0x4a: {  	_ =	shalt  }
0x4b: {  	_ =	shalt  }
0x4c: {  	_ =	shalt  }
0x4d: {  	_ =	shalt  }
0x4e: {  	_ =	shalt  }
0x4f: {  	_ =	shalt  }
0x50: {  	_ =	shalt  }
0x51: {  	_ =	shalt  }
0x52: {  	_ =	shalt  }
0x53: {  	_ =	shalt  }
0x54: {  	_ =	shalt  }
0x55: {  	_ =	shalt  }
0x56: {  	_ =	shalt  }
0x57: {  	_ =	shalt  }
0x58: {  	_ =	shalt  }
0x59: {  	_ =	shalt  }
0x5a: {  	_ =	shalt  }
0x5b: {  	_ =	shalt  }
0x5c: {  	_ =	shalt  }
0x5d: {  	_ =	shalt  }
0x5e: {  	_ =	shalt  }
0x5f: {  	_ =	shalt  }
0x60: {  	_ =	shalt  }
0x61: {  	_ =	shalt  }
0x62: {  	_ =	shalt  }
0x63: {  	_ =	shalt  }
0x64: {  	_ =	shalt  }
0x65: {  	_ =	shalt  }
0x66: {  	_ =	shalt  }
0x67: {  	_ =	shalt  }
0x68: {  	_ =	shalt  }
0x69: {  	_ =	shalt  }
0x6a: {  	_ =	shalt  }
0x6b: {  	_ =	shalt  }
0x6c: {  	_ =	shalt  }
0x6d: {  	_ =	shalt  }
0x6e: {  	_ =	shalt  }
0x6f: {  	_ =	shalt  }
0x70: {  	_ =	shalt  }
0x71: {  	_ =	shalt  }
0x72: {  	_ =	shalt  }
0x73: {  	_ =	shalt  }
0x74: {  	_ =	shalt  }
0x75: {  	_ =	shalt  }
0x76: {  	_ =	shalt  }
0x77: {  	_ =	shalt  }
0x78: {  	_ =	shalt  }
0x79: {  	_ =	shalt  }
0x7a: {  	_ =	shalt  }
0x7b: {  	_ =	shalt  }
0x7c: {  	_ =	shalt  }
0x7d: {  	_ =	shalt  }
0x7e: {  	_ =	shalt  }
0x7f: {  	_ =	shalt  }
0x80: {  	_ =	shalt  }
0x81: {  	_ =	shalt  }
0x82: {  	_ =	shalt  }
0x83: {  	_ =	shalt  }
0x84: {  	_ =	shalt  }
0x85: {  	_ =	shalt  }
0x86: {  	_ =	shalt  }
0x87: {  	_ =	shalt  }
.Lfunc_end0:
.L_simem_size_0:
called_computation_lowered:
.L_overlay_start_0:
0x88: {  	s2 =	sld [smem:$0x3FD9]  }
0x89: {  	s3 =	sld [smem:$0x3FFE];
	_ =	sdelay $0x1  }
0x8a: {  	s1 =	srdreg.scid  }
0x8b: {  	s0 =	sand.u32 $0x1, s1  }
0x8c: {  	s14 =	sshll.u32 s0, $0xA;
	s2 =	sadd.s32 s3, s2  }
0x8d: {  	s2 =	sadd.s32 s2, s14  }
0x8e: {  	[smem:$0x3FC3] =	sst s2  }
0x8f: {  	_ = 	snop  }
0x90: {  	s2 =	sld [smem:$0x3FD0]  }
0x91: {  	s15 =	sld [smem:$0x3FC9]  }
0x92: {  	s4 =	sld [smem:$0x3FC8]  }
0x93: {  	s6 =	simm.s32 $0xA;
	s7 =	simm.s32 $0x10;
	s5 =	sld [smem:$0x3FC7]  }
0x94: {  	[smem:s7], [sflag:s6] =	dma.local [hbm:s2], $0x1  }
0x95: {  	_ =	swait.eq [sflag:s6], $0x1  }
0x96: {  	[sflag:s6] =	ssyncset.done $0x0  }
0x97: {  	[sflag:s6] =	ssyncadd.s32 $0xFFFFFFFF  }
0x98: {  	s16 =	sld [smem:$0x12];
	(tm) =	ssettm $0x1  }
0x99: {  	s17 =	sld [smem:$0x3FFB];
	_ =	sdelay $0x3  }
0x9a: {  	_ =	strace s17  }
0x9b: {  	s6 =	sld [smem:$0x3FFC];
	_ =	sdelay $0x3  }
0x9c: {  	_ =	strace s6  }
0x9d: {  	s6 =	sld [smem:$0x3FFD];
	_ =	sdelay $0x3  }
0x9e: {  	_ =	strace s6  }
0x9f: {  	_ =	strace $0x8FFFFFFF  }
0xa0: {  	s18 =	sld [smem:$0x3FDB];
	_ =	sdelay $0x1  }
0xa1: {  	s19 =	simm.s32 $_scs_section_size  }
0xa2: {  	s8 =	simm.s32 $_size__tile_overlayer_lowered;
	s9 =	simm.s32 $_tile_overlayer_lowered  }
0xa3: {  	s22 =	simm.s32 $0x1BFF;
	s21 =	sshll.u32 s9, $0x1;
	s6 =	sadd.s32 s19, s18  }
0xa4: {  	s10 =	simm.s32 $0x0;
	s20 =	sshll.u32 s8, $0x1;
	s8 =	sadd.s32 s21, s6  }
0xa5: {  	[timem:s10], [sflag:s22] =	dma.local [hbm:s8], s20  }
0xa6: {  	_ =	swait.ge [sflag:s22], s20  }
0xa7: {  	s7 =	ssub.s32 $0x0, s20;
	[sflag:s22] =	ssyncset.done $0x0  }
0xa8: {  	[sflag:s22] =	ssyncadd.s32 s7;
	_ =	sdelay $0x1  }
0xa9: {  	s23 =	simm.s32 $0x1B8B  }
0xaa: {  	_ =	swait.ge [sflag:s23], $0x1  }
0xab: {  	[sflag:s23] =	ssyncset.done $0x0  }
0xac: {  	s25 =	simm.s32 $0x1B8E;
	s24 =	sld [smem:$0x3FFE];
	[sflag:s23] =	ssyncadd.s32 $0xFFFFFFFF  }
0xad: {  	s26 =	simm.s32 $execute0_lowered;
	[smem:$0x3FD2] =	sst s25  }
0xae: {  	s8 =	sshll.u32 s26, $0x1;
	_ =	strace $0x80000046;
	[dreg:$0x1] =	wrdreg $0xFFFFFFFF  }
0xaf: {  	s28 =	simm.s32 $_size_execute0_lowered;
	s6 =	sadd.s32 s6, s8;
	[dreg:$0x0] =	wrdreg $0x0  }
0xb0: {  	s8 =	sshll.u32 s28, $0x1;
	[dreg:$0x2] =	wrdreg s6  }
0xb1: {  	[dreg:$0x3] =	wrdreg s8  }
0xb2: {  	[dreg:$0x4] =	wrdreg $0xC0  }
0xb3: {  	_ =	task [dreg:s10], $0x5FFFF  }
0xb4: {  	[dreg:$0x1] =	wrdreg $0xFFFFFFFF  }
0xb5: {  	[dreg:$0x0] =	wrdreg $0x60  }
0xb6: {  	[dreg:$0x2] =	wrdreg s15  }
0xb7: {  	[dreg:$0x3] =	wrdreg s4  }
0xb8: {  	[dreg:$0x4] =	wrdreg s5  }
0xb9: {  	[dreg:$0x5] =	wrdreg s24  }
0xba: {  	[dreg:$0x6] =	wrdreg s16  }
0xbb: {  	[dreg:$0x7] =	wrdreg $0x9  }
0xbc: {  	_ =	task.clear_ibuf [dreg:s10], $0x8FFFF;
	_ =	strace $0x90000046  }
0xbd: {  	s29 =	simm.s32 $0x9;
	_ =	strace $0x80000048  }
0xbe: {  	_ =	swait.ge [sflag:s29], $0x1  }
0xbf: {  	[sflag:s29] =	ssyncadd.s32 $0xFFFFFFFF  }
0xc0: {  	_ =	strace $0x90000048  }
0xc1: {  	_ =	sfence  }
0xc2: {  	s30 =	sld [smem:$0x0];
	_ =	sdelay $0x2  }
0xc3: {  	s31 =	sshll.u32 s1, $0xD;
	s1 =	sshrl.u32 s1, $0x2  }
0xc4: {  	s3 =	sand.u32 $0x4000, s31;
	s1 =	sadd.s32 s1, s30  }
0xc5: {  	s0 =	sor.u32 s3, s0;
	s1 =	sshll.u32 s1, $0x11  }
0xc6: {  	s0 =	sor.u32 s1, s0  }
0xc7: {  	s0 =	sadd.s32 $0x8F2B, s0  }
0xc8: {  	[sflag:s0] =	ssyncadd.remote.s32 $0x1  }
0xc9: {  	_ =	sfence.sel $0xFFFF  }
0xca: {  	[dreg:$0x0] =	wrdreg $0xFFFFFFFF;
	(pc) =	sbr.abs _section_cstart, $3  }
0xcb: {  	[dreg:$0x1] =	wrdreg $0xFFFFFFFF  }
0xcc: {  	_ =	task.clear_ibuf [dreg:s10], $0x2FFFF;
	_ =	strace $0x9FFFFFFF  }
0xcd: {  	(tm) =	ssettm $0x7FFFFFFF  }
tec
execute0_lowered:
.L_overlay_start_1:
0x0: {  	(tag) =	ssettag $0x1  }
0x1: {  	s5 =	rddreg [dreg:$0x0]  }
0x2: {  	s6 =	rddreg [dreg:$0x1]  }
0x3: {  	s7 =	rddreg [dreg:$0x2]  }
0x4: {  	s8 =	rddreg [dreg:$0x3]  }
0x5: {  	s1 =	rddreg [dreg:$0x4]  }
0x6: {  	s3 =	simm.s32 $0x0;
	s4 =	srdreg.scid;
	s0 =	stileid.u32  }
0x7: {  	s15 =	simm.s32 $0x1;
	s16 =	simm.s32 $0x600;
	s9 =	sand.u32 $0x1, s4  }
0x8: {  	s17 =	simm.s32 $0x0;
	s10 =	sshll.u32 s0, $0xA;
	s11 =	sshll.u32 s9, $0x9  }
0x9: {  	[smem:$0x7FF] =	sst s3;
	s4 =	sadd.s32 $0x1200, s8;
	s10 =	sor.u32 s11, s10  }
0xa: {  	s9 =	ssub.s32 $0x2, s9;
	s11 =	sshll.u32 s10, $0x4;
	s10 =	sshrl.u32 s10, $0x3  }
0xb: {  	_ =	strace $0x80000047;
	s12 =	sshrl.u32 s9, $0x1;
	s29 =	sadd.s32 s5, s10  }
0xc: {  	s12 =	ssub.s32 s9, s12;
	s30 =	sadd.s32 s6, s10;
	[dreg:$0x6] =	wrdreg s29  }
0xd: {  	s11 =	sadd.s32 s11, s8;
	s31 =	sadd.s32 s7, s10;
	[dreg:$0x7] =	wrdreg s30  }
0xe: {  	[dreg:$0x8] =	wrdreg s31;
	s8 =	sadd.s32 $0xF43600, s11;
	s9 =	sadd.s32 $0xF83600, s11  }
0xf: {  	s10 =	sadd.s32 $0xFC3600, s11;
	s11 =	smax.u32 s12, $0x1;
	s12 =	simm.s32 $0x2  }
.LBB2_1:
0x10: {  	s0 =	rddreg [dreg:$0x6]  }
0x11: {  	[tilespmem:s3], [sflag:$0x2] =	stream.linear.gather [hbm4b:s0+s3], $0x200, $0x38;
	[tilespmem:$0x10600] =	vst v63  }
0x12: {  	_ =	swait.ge [sflag:s12], $0x200  }
0x13: {  	[sflag:s12] =	ssyncset.done $0x0  }
0x14: {  	s2 =	simm.s32 $0x200;
	s29 =	rddreg [dreg:$0x7];
	[sflag:s12] =	ssyncadd.s32 $0xFFFFFE00  }
0x15: {  	[tilespmem:s2], [sflag:$0x2] =	stream.linear.gather [hbm4b:s29+s3], $0x200, $0x38;
	[tilespmem:$0x10600] =	vst v63  }
0x16: {  	_ =	swait.ge [sflag:s12], $0x200  }
0x17: {  	[sflag:s12] =	ssyncset.done $0x0  }
0x18: {  	s31 =	simm.s32 $0x400;
	s30 =	rddreg [dreg:$0x8];
	[sflag:s12] =	ssyncadd.s32 $0xFFFFFE00  }
0x19: {  	[tilespmem:s31], [sflag:$0x2] =	stream.linear.gather [hbm4b:s30+s3], $0x200, $0x38;
	[tilespmem:$0x10600] =	vst v63  }
0x1a: {  	_ =	swait.ge [sflag:s12], $0x200  }
0x1b: {  	[sflag:s12] =	ssyncset.done $0x0  }
0x1c: {  	[sflag:s12] =	ssyncadd.s32 $0xFFFFFE00  }
0x1d: {  	v0 =	vld [tilespmem:s3+$0x0];
	_ =	sdelay $0x4  }
0x1e: {  	v0 =	vshll.u32 v0, $0x4  }
0x1f: {  	(v2sf) =	vpush v0, $0x0  }
0x20: {  	(v2sf) =	vpush v0, $0x1  }
0x21: {  	(v2sf) =	vpush v0, $0x2;
	_ =	sdelay $0x1  }
0x22: {  	(v2sf) =	vpush v0, $0x4;
	_ =	sdelay $0x1  }
0x23: {  	(v2sf) =	vpush v0, $0x3  }
0x24: {  	(v2sf) =	vpush v0, $0x5  }
0x25: {  	s19 =	simm.s32 $0x2000;
	s18 =	simm.s32 $0x0;
	s20 =	simm.s32 $0x0;
	(v2sf) =	vpush v0, $0x6  }
.LBB2_2:
0x26: {  	p0 =	sne.s32 s19, $0x3E000  }
0x27: {  	s31 =	sadd.s32 $0x680, s18;
	s24 =	sadd.s32 $0xB80, s18;
	s21 =	smov.u32 s19  }
0x28: {  	s19 =	sadd.s32 $0x2000, s19;
	s28 =	sadd.s32 $0x980, s18;
	s22 =	sadd.s32 $0xC00, s18;
	(v2sf) =	vpush v0, $0x7  }
0x29: {  	s30 =	sadd.s32 $0x880, s18;
	s26 =	sadd.s32 $0xA00, s18;
	s23 =	sadd.s32 $0xC80, s18  }
0x2a: {  	s0 =	sadd.s32 $0x600, s18;
	s2 =	sadd.s32 $0x800, s18;
	(v2sf) =	vpush v0, $0x8  }
0x2b: {  	s13 =	sadd.s32 $0x900, s18;
	s20 =	sadd.s32 $0x10, s20  }
0x2c: {  	s14 =	sadd.s32 $0x700, s18;
	s25 =	sadd.s32 $0xB00, s18;
	s29 =	spop (v2sf);
	(v2sf) =	vpush v0, $0x9  }
0x2d: {  	s5 =	sand.u32 $0x1FFFFFF0, s29;
	s29 =	sadd.s32 $0xA80, s18;
	s6 =	spop (v2sf)  }
0x2e: {  	s5 =	sadd.s32 s4, s5;
	s6 =	sand.u32 $0x1FFFFFF0, s6;
	s7 =	spop (v2sf);
	(v2sf) =	vpush v0, $0xA  }
0x2f: {  	[tilespmem:s0], [sflag:$0x1] =	stream.linear.gather [hbm4b:s5+s3], $0x80, $0x38;
	[tilespmem:$0x10600] =	vst v63  }
0x30: {  	s0 =	sadd.s32 s4, s6;
	s5 =	sadd.s32 $0x780, s18;
	s6 =	spop (v2sf);
	(v2sf) =	vpush v0, $0xB  }
0x31: {  	[tilespmem:s31], [sflag:$0x1] =	stream.linear.gather [hbm4b:s0+s3], $0x80, $0x38;
	[tilespmem:$0x10600] =	vst v63  }
0x32: {  	s0 =	sand.u32 $0x1FFFFFF0, s7;
	s6 =	sand.u32 $0x1FFFFFF0, s6;
	s7 =	spop (v2sf);
	(v2sf) =	vpush v0, $0xC  }
0x33: {  	s0 =	sadd.s32 s4, s0;
	s7 =	sand.u32 $0x1FFFFFF0, s7;
	s31 =	spop (v2sf)  }
0x34: {  	[tilespmem:s14], [sflag:$0x1] =	stream.linear.gather [hbm4b:s0+s3], $0x80, $0x38;
	(v2sf) =	vpush v0, $0xD;
	[tilespmem:$0x10600] =	vst v63  }
0x35: {  	s0 =	sadd.s32 s4, s7;
	s7 =	sand.u32 $0x1FFFFFF0, s31;
	s14 =	spop (v2sf)  }
0x36: {  	[tilespmem:s5], [sflag:$0x1] =	stream.linear.gather [hbm4b:s0+s3], $0x80, $0x38;
	(v2sf) =	vpush v0, $0xE;
	[tilespmem:$0x10600] =	vst v63  }
0x37: {  	s0 =	sadd.s32 s4, s6;
	s5 =	sand.u32 $0x1FFFFFF0, s14;
	s6 =	spop (v2sf)  }
0x38: {  	[tilespmem:s2], [sflag:$0x1] =	stream.linear.gather [hbm4b:s0+s3], $0x80, $0x38;
	(v2sf) =	vpush v0, $0xF;
	[tilespmem:$0x10600] =	vst v63  }
0x39: {  	s0 =	sadd.s32 s4, s7;
	s2 =	sand.u32 $0x1FFFFFF0, s6;
	s6 =	spop (v2sf)  }
0x3a: {  	[tilespmem:s30], [sflag:$0x1] =	stream.linear.gather [hbm4b:s0+s3], $0x80, $0x38;
	[tilespmem:$0x10600] =	vst v63  }
0x3b: {  	s0 =	sadd.s32 s4, s5;
	s5 =	sand.u32 $0x1FFFFFF0, s6;
	s6 =	spop (v2sf)  }
0x3c: {  	[tilespmem:s13], [sflag:$0x1] =	stream.linear.gather [hbm4b:s0+s3], $0x80, $0x38;
	[tilespmem:$0x10600] =	vst v63  }
0x3d: {  	s0 =	sadd.s32 s4, s2;
	s2 =	sand.u32 $0x1FFFFFF0, s6;
	s6 =	spop (v2sf)  }
0x3e: {  	[tilespmem:s28], [sflag:$0x1] =	stream.linear.gather [hbm4b:s0+s3], $0x80, $0x38;
	[tilespmem:$0x10600] =	vst v63  }
0x3f: {  	s0 =	sadd.s32 s4, s5;
	s5 =	sand.u32 $0x1FFFFFF0, s6;
	s6 =	spop (v2sf)  }
0x40: {  	[tilespmem:s26], [sflag:$0x1] =	stream.linear.gather [hbm4b:s0+s3], $0x80, $0x38;
	[tilespmem:$0x10600] =	vst v63  }
0x41: {  	s0 =	sadd.s32 s4, s2;
	s2 =	sand.u32 $0x1FFFFFF0, s6;
	s6 =	spop (v2sf)  }
0x42: {  	[tilespmem:s29], [sflag:$0x1] =	stream.linear.gather [hbm4b:s0+s3], $0x80, $0x38;
	[tilespmem:$0x10600] =	vst v63  }
0x43: {  	s0 =	sadd.s32 s4, s5;
	s5 =	sand.u32 $0x1FFFFFF0, s6;
	s6 =	spop (v2sf)  }
0x44: {  	[tilespmem:s25], [sflag:$0x1] =	stream.linear.gather [hbm4b:s0+s3], $0x80, $0x38;
	[tilespmem:$0x10600] =	vst v63  }
0x45: {  	s0 =	sadd.s32 s4, s2;
	s2 =	sand.u32 $0x1FFFFFF0, s6;
	s6 =	spop (v2sf)  }
0x46: {  	[tilespmem:s24], [sflag:$0x1] =	stream.linear.gather [hbm4b:s0+s3], $0x80, $0x38;
	[tilespmem:$0x10600] =	vst v63  }
0x47: {  	s0 =	sadd.s32 s4, s5;
	s5 =	sand.u32 $0x1FFFFFF0, s6;
	s6 =	spop (v2sf)  }
0x48: {  	[tilespmem:s22], [sflag:$0x1] =	stream.linear.gather [hbm4b:s0+s3], $0x80, $0x38;
	[tilespmem:$0x10600] =	vst v63  }
0x49: {  	s0 =	sadd.s32 s4, s2;
	s2 =	sand.u32 $0x1FFFFFF0, s6  }
0x4a: {  	[tilespmem:s23], [sflag:$0x1] =	stream.linear.gather [hbm4b:s0+s3], $0x80, $0x38;
	[tilespmem:$0x10600] =	vst v63  }
0x4b: {  	s5 =	sadd.s32 s4, s5;
	s0 =	sadd.s32 $0xD00, s18  }
0x4c: {  	[tilespmem:s0], [sflag:$0x1] =	stream.linear.gather [hbm4b:s5+s3], $0x80, $0x38;
	[tilespmem:$0x10600] =	vst v63  }
0x4d: {  	s2 =	sadd.s32 s4, s2;
	s0 =	sadd.s32 $0xD80, s18  }
0x4e: {  	[tilespmem:s0], [sflag:$0x1] =	stream.linear.gather [hbm4b:s2+s3], $0x80, $0x38;
	[tilespmem:$0x10600] =	vst v63  }
0x4f: {  	v0 =	vld [tilespmem:s20+$0x0];
	_ =	sdelay $0x4  }
0x50: {  	v0 =	vshll.u32 v0, $0x4  }
0x51: {  	(v2sf) =	vpush v0, $0x0  }
0x52: {  	(v2sf) =	vpush v0, $0x1  }
0x53: {  	(v2sf) =	vpush v0, $0x2;
	_ =	sdelay $0x1  }
0x54: {  	(v2sf) =	vpush v0, $0x4  }
.Ltmp0:
0x55: {  	(pc) =	sbr.rel @p0 .LBB2_2-.Ltmp0, $3  }
0x56: {  	(v2sf) =	vpush v0, $0x3  }
0x57: {  	(v2sf) =	vpush v0, $0x5;
	_ =	sdelay $0x1  }
0x58: {  	s18 =	sshra.s32 s21, $0x2;
	(v2sf) =	vpush v0, $0x6  }
0x59: {  	_ =	sdelay $0x1  }
0x5a: {  	s0 =	sadd.s32 $0x680, s18;
	s21 =	sadd.s32 $0xB80, s18  }
0x5b: {  	s2 =	sadd.s32 $0x980, s18;
	s19 =	sadd.s32 $0xC00, s18;
	(v2sf) =	vpush v0, $0x7;
	s5 =	sadd.s32 $0x880, s18  }
0x5c: {  	s6 =	sadd.s32 $0xA00, s18;
	s20 =	sadd.s32 $0xC80, s18;
	s7 =	sadd.s32 $0x600, s18  }
0x5d: {  	s13 =	sadd.s32 $0x800, s18;
	s14 =	sadd.s32 $0x900, s18;
	(v2sf) =	vpush v0, $0x8;
	s22 =	spop (v2sf)  }
0x5e: {  	s23 =	sadd.s32 $0x700, s18;
	s22 =	sand.u32 $0x1FFFFFF0, s22;
	s24 =	spop (v2sf)  }
0x5f: {  	(v2sf) =	vpush v0, $0x9;
	s22 =	sadd.s32 s4, s22;
	s24 =	sand.u32 $0x1FFFFFF0, s24;
	s25 =	spop (v2sf)  }
0x60: {  	[tilespmem:s7], [sflag:$0x1] =	stream.linear.gather [hbm4b:s22+s3], $0x80, $0x38;
	[tilespmem:$0x10600] =	vst v63  }
0x61: {  	(v2sf) =	vpush v0, $0xA;
	s26 =	sadd.s32 s4, s24;
	s29 =	sand.u32 $0x1FFFFFF0, s25;
	s28 =	spop (v2sf)  }
0x62: {  	[tilespmem:s0], [sflag:$0x1] =	stream.linear.gather [hbm4b:s26+s3], $0x80, $0x38;
	[tilespmem:$0x10600] =	vst v63  }
0x63: {  	s7 =	sadd.s32 $0xB00, s18;
	(v2sf) =	vpush v0, $0xB;
	s22 =	sadd.s32 s4, s29;
	s30 =	spop (v2sf)  }
0x64: {  	s0 =	sadd.s32 $0xA80, s18;
	s26 =	sadd.s32 $0x780, s18;
	s25 =	sand.u32 $0x1FFFFFF0, s30  }
0x65: {  	(v2sf) =	vpush v0, $0xC;
	[tilespmem:s23], [sflag:$0x1] =	stream.linear.gather [hbm4b:s22+s3], $0x80, $0x38;
	[tilespmem:$0x10600] =	vst v63  }
0x66: {  	s31 =	sand.u32 $0x1FFFFFF0, s28;
	s28 =	spop (v2sf);
	s29 =	sadd.s32 s4, s25  }
0x67: {  	(v2sf) =	vpush v0, $0xD;
	[tilespmem:s26], [sflag:$0x1] =	stream.linear.gather [hbm4b:s29+s3], $0x80, $0x38;
	[tilespmem:$0x10600] =	vst v63  }
0x68: {  	s22 =	sadd.s32 s4, s31;
	s23 =	sand.u32 $0x1FFFFFF0, s28;
	s30 =	spop (v2sf)  }
0x69: {  	(v2sf) =	vpush v0, $0xE;
	[tilespmem:s13], [sflag:$0x1] =	stream.linear.gather [hbm4b:s22+s3], $0x80, $0x38;
	[tilespmem:$0x10600] =	vst v63  }
0x6a: {  	s23 =	sadd.s32 s4, s23;
	s31 =	sand.u32 $0x1FFFFFF0, s30;
	s24 =	spop (v2sf)  }
0x6b: {  	(v2sf) =	vpush v0, $0xF;
	[tilespmem:s5], [sflag:$0x1] =	stream.linear.gather [hbm4b:s23+s3], $0x80, $0x38;
	[tilespmem:$0x10600] =	vst v63  }
0x6c: {  	s25 =	sand.u32 $0x1FFFFFF0, s24;
	s26 =	spop (v2sf);
	s13 =	sadd.s32 s4, s31  }
0x6d: {  	[tilespmem:s14], [sflag:$0x1] =	stream.linear.gather [hbm4b:s13+s3], $0x80, $0x38;
	[tilespmem:$0x10600] =	vst v63  }
0x6e: {  	s28 =	sand.u32 $0x1FFFFFF0, s26;
	s5 =	sadd.s32 s4, s25;
	s29 =	spop (v2sf)  }
0x6f: {  	[tilespmem:s2], [sflag:$0x1] =	stream.linear.gather [hbm4b:s5+s3], $0x80, $0x38;
	[tilespmem:$0x10600] =	vst v63  }
0x70: {  	s13 =	sadd.s32 s4, s28;
	s30 =	sand.u32 $0x1FFFFFF0, s29;
	s31 =	spop (v2sf)  }
0x71: {  	[tilespmem:s6], [sflag:$0x1] =	stream.linear.gather [hbm4b:s13+s3], $0x80, $0x38;
	[tilespmem:$0x10600] =	vst v63  }
0x72: {  	s5 =	sand.u32 $0x1FFFFFF0, s31;
	s2 =	sadd.s32 s4, s30;
	s13 =	spop (v2sf)  }
0x73: {  	[tilespmem:s0], [sflag:$0x1] =	stream.linear.gather [hbm4b:s2+s3], $0x80, $0x38;
	[tilespmem:$0x10600] =	vst v63  }
0x74: {  	s5 =	sadd.s32 s4, s5;
	s14 =	sand.u32 $0x1FFFFFF0, s13;
	s22 =	spop (v2sf)  }
0x75: {  	[tilespmem:s7], [sflag:$0x1] =	stream.linear.gather [hbm4b:s5+s3], $0x80, $0x38;
	[tilespmem:$0x10600] =	vst v63  }
0x76: {  	s0 =	sadd.s32 s4, s14;
	s2 =	sand.u32 $0x1FFFFFF0, s22;
	s23 =	spop (v2sf)  }
0x77: {  	[tilespmem:s21], [sflag:$0x1] =	stream.linear.gather [hbm4b:s0+s3], $0x80, $0x38;
	[tilespmem:$0x10600] =	vst v63  }
0x78: {  	s24 =	sand.u32 $0x1FFFFFF0, s23;
	s2 =	sadd.s32 s4, s2;
	s25 =	spop (v2sf)  }
0x79: {  	[tilespmem:s19], [sflag:$0x1] =	stream.linear.gather [hbm4b:s2+s3], $0x80, $0x38;
	[tilespmem:$0x10600] =	vst v63  }
0x7a: {  	s26 =	sand.u32 $0x1FFFFFF0, s25;
	s28 =	spop (v2sf);
	s0 =	sadd.s32 s4, s24  }
0x7b: {  	[tilespmem:s20], [sflag:$0x1] =	stream.linear.gather [hbm4b:s0+s3], $0x80, $0x38;
	[tilespmem:$0x10600] =	vst v63  }
0x7c: {  	s30 =	sadd.s32 $0xD00, s18;
	s29 =	sand.u32 $0x1FFFFFF0, s28;
	s2 =	sadd.s32 s4, s26  }
0x7d: {  	[tilespmem:s30], [sflag:$0x1] =	stream.linear.gather [hbm4b:s2+s3], $0x80, $0x38;
	[tilespmem:$0x10600] =	vst v63  }
0x7e: {  	s31 =	sadd.s32 $0xD80, s18;
	s0 =	sadd.s32 s4, s29  }
0x7f: {  	[tilespmem:s31], [sflag:$0x1] =	stream.linear.gather [hbm4b:s0+s3], $0x80, $0x38;
	[tilespmem:$0x10600] =	vst v63  }
0x80: {  	_ =	swait.ge [sflag:s15], $0x80  }
0x81: {  	s18 =	simm.s32 $0x1FF;
	[sflag:s15] =	ssyncset.done $0x0  }
.LBB2_4:
0x82: {  	p0 =	sne.s32 s18, $0x1;
	s18 =	sadd.s32 $0xFFFFFFFF, s18;
	[sflag:s15] =	ssyncadd.s32 $0xFFFFFF80  }
.Ltmp1:
0x83: {  	(pc) =	sbr.rel @p0 .LBB2_4-.Ltmp1, $3  }
0x84: {  	_ =	sdelay $0x1  }
0x85: {  	_ =	swait.ge [sflag:s15], $0x80  }
0x86: {  	[sflag:s15] =	ssyncset.done $0x0  }
0x87: {  	[sflag:s15] =	ssyncadd.s32 $0xFFFFFF80;
	s0 =	simm.s32 $0x0  }
0x88: {  	[hbm4b:s8+s0] =	stream.linear.scatter [tilespmem:s16], [sflag:$0x2], $0x10000, $0x38;
	[tilespmem:$0x10600] =	vst v63  }
0x89: {  	_ =	swait.ge [sflag:s12], $0x10000  }
0x8a: {  	[sflag:s12] =	ssyncset.done $0x0  }
0x8b: {  	s19 =	simm.s32 $0x200;
	[sflag:s12] =	ssyncadd.s32 $0xFFFF0000  }
0x8c: {  	v0 =	vld [tilespmem:s19+$0x0];
	_ =	sdelay $0x4  }
0x8d: {  	v0 =	vshll.u32 v0, $0x4  }
0x8e: {  	(v2sf) =	vpush v0, $0x0  }
0x8f: {  	(v2sf) =	vpush v0, $0x1  }
0x90: {  	(v2sf) =	vpush v0, $0x2;
	_ =	sdelay $0x1  }
0x91: {  	(v2sf) =	vpush v0, $0x4;
	_ =	sdelay $0x1  }
0x92: {  	(v2sf) =	vpush v0, $0x3  }
0x93: {  	(v2sf) =	vpush v0, $0x5  }
0x94: {  	s20 =	simm.s32 $0x2000;
	s18 =	simm.s32 $0x0;
	(v2sf) =	vpush v0, $0x6  }
.LBB2_6:
0x95: {  	p0 =	sne.s32 s20, $0x3E000  }
0x96: {  	s0 =	sadd.s32 $0x680, s18;
	s24 =	sadd.s32 $0xB80, s18;
	s21 =	smov.u32 s20  }
0x97: {  	s20 =	sadd.s32 $0x2000, s20;
	s28 =	sadd.s32 $0x980, s18;
	s22 =	sadd.s32 $0xC00, s18;
	(v2sf) =	vpush v0, $0x7  }
0x98: {  	s30 =	sadd.s32 $0x880, s18;
	s26 =	sadd.s32 $0xA00, s18;
	s23 =	sadd.s32 $0xC80, s18  }
0x99: {  	s2 =	sadd.s32 $0x600, s18;
	s5 =	sadd.s32 $0x800, s18;
	(v2sf) =	vpush v0, $0x8  }
0x9a: {  	s6 =	sadd.s32 $0x900, s18;
	s19 =	sadd.s32 $0x10, s19  }
0x9b: {  	s7 =	sadd.s32 $0x700, s18;
	s25 =	sadd.s32 $0xB00, s18;
	s13 =	spop (v2sf);
	(v2sf) =	vpush v0, $0x9  }
0x9c: {  	s29 =	sadd.s32 $0xA80, s18;
	s13 =	sand.u32 $0x1FFFFFF0, s13;
	s14 =	spop (v2sf)  }
0x9d: {  	s13 =	sadd.s32 s4, s13;
	s14 =	sand.u32 $0x1FFFFFF0, s14;
	s31 =	spop (v2sf);
	(v2sf) =	vpush v0, $0xA  }
0x9e: {  	[tilespmem:s2], [sflag:$0x1] =	stream.linear.gather [hbm4b:s13+s3], $0x80, $0x38;
	[tilespmem:$0x10600] =	vst v63  }
0x9f: {  	s2 =	sadd.s32 s4, s14;
	s13 =	sadd.s32 $0x780, s18;
	s14 =	spop (v2sf);
	(v2sf) =	vpush v0, $0xB  }
0xa0: {  	[tilespmem:s0], [sflag:$0x1] =	stream.linear.gather [hbm4b:s2+s3], $0x80, $0x38;
	[tilespmem:$0x10600] =	vst v63  }
0xa1: {  	s0 =	sand.u32 $0x1FFFFFF0, s31;
	s2 =	sand.u32 $0x1FFFFFF0, s14;
	s14 =	spop (v2sf);
	(v2sf) =	vpush v0, $0xC  }
0xa2: {  	s0 =	sadd.s32 s4, s0;
	s14 =	sand.u32 $0x1FFFFFF0, s14;
	s31 =	spop (v2sf)  }
0xa3: {  	[tilespmem:s7], [sflag:$0x1] =	stream.linear.gather [hbm4b:s0+s3], $0x80, $0x38;
	(v2sf) =	vpush v0, $0xD;
	[tilespmem:$0x10600] =	vst v63  }
0xa4: {  	s0 =	sadd.s32 s4, s14;
	s7 =	sand.u32 $0x1FFFFFF0, s31;
	s14 =	spop (v2sf)  }
0xa5: {  	[tilespmem:s13], [sflag:$0x1] =	stream.linear.gather [hbm4b:s0+s3], $0x80, $0x38;
	(v2sf) =	vpush v0, $0xE;
	[tilespmem:$0x10600] =	vst v63  }
0xa6: {  	s0 =	sadd.s32 s4, s2;
	s2 =	sand.u32 $0x1FFFFFF0, s14;
	s13 =	spop (v2sf)  }
0xa7: {  	[tilespmem:s5], [sflag:$0x1] =	stream.linear.gather [hbm4b:s0+s3], $0x80, $0x38;
	(v2sf) =	vpush v0, $0xF;
	[tilespmem:$0x10600] =	vst v63  }
0xa8: {  	s0 =	sadd.s32 s4, s7;
	s5 =	sand.u32 $0x1FFFFFF0, s13;
	s7 =	spop (v2sf)  }
0xa9: {  	[tilespmem:s30], [sflag:$0x1] =	stream.linear.gather [hbm4b:s0+s3], $0x80, $0x38;
	[tilespmem:$0x10600] =	vst v63  }
0xaa: {  	s0 =	sadd.s32 s4, s2;
	s2 =	sand.u32 $0x1FFFFFF0, s7;
	s7 =	spop (v2sf)  }
0xab: {  	[tilespmem:s6], [sflag:$0x1] =	stream.linear.gather [hbm4b:s0+s3], $0x80, $0x38;
	[tilespmem:$0x10600] =	vst v63  }
0xac: {  	s0 =	sadd.s32 s4, s5;
	s5 =	sand.u32 $0x1FFFFFF0, s7;
	s6 =	spop (v2sf)  }
0xad: {  	[tilespmem:s28], [sflag:$0x1] =	stream.linear.gather [hbm4b:s0+s3], $0x80, $0x38;
	[tilespmem:$0x10600] =	vst v63  }
0xae: {  	s0 =	sadd.s32 s4, s2;
	s2 =	sand.u32 $0x1FFFFFF0, s6;
	s6 =	spop (v2sf)  }
0xaf: {  	[tilespmem:s26], [sflag:$0x1] =	stream.linear.gather [hbm4b:s0+s3], $0x80, $0x38;
	[tilespmem:$0x10600] =	vst v63  }
0xb0: {  	s0 =	sadd.s32 s4, s5;
	s5 =	sand.u32 $0x1FFFFFF0, s6;
	s6 =	spop (v2sf)  }
0xb1: {  	[tilespmem:s29], [sflag:$0x1] =	stream.linear.gather [hbm4b:s0+s3], $0x80, $0x38;
	[tilespmem:$0x10600] =	vst v63  }
0xb2: {  	s0 =	sadd.s32 s4, s2;
	s2 =	sand.u32 $0x1FFFFFF0, s6;
	s6 =	spop (v2sf)  }
0xb3: {  	[tilespmem:s25], [sflag:$0x1] =	stream.linear.gather [hbm4b:s0+s3], $0x80, $0x38;
	[tilespmem:$0x10600] =	vst v63  }
0xb4: {  	s0 =	sadd.s32 s4, s5;
	s5 =	sand.u32 $0x1FFFFFF0, s6;
	s6 =	spop (v2sf)  }
0xb5: {  	[tilespmem:s24], [sflag:$0x1] =	stream.linear.gather [hbm4b:s0+s3], $0x80, $0x38;
	[tilespmem:$0x10600] =	vst v63  }
0xb6: {  	s0 =	sadd.s32 s4, s2;
	s2 =	sand.u32 $0x1FFFFFF0, s6;
	s6 =	spop (v2sf)  }
0xb7: {  	[tilespmem:s22], [sflag:$0x1] =	stream.linear.gather [hbm4b:s0+s3], $0x80, $0x38;
	[tilespmem:$0x10600] =	vst v63  }
0xb8: {  	s0 =	sadd.s32 s4, s5;
	s5 =	sand.u32 $0x1FFFFFF0, s6  }
0xb9: {  	[tilespmem:s23], [sflag:$0x1] =	stream.linear.gather [hbm4b:s0+s3], $0x80, $0x38;
	[tilespmem:$0x10600] =	vst v63  }
0xba: {  	s2 =	sadd.s32 s4, s2;
	s0 =	sadd.s32 $0xD00, s18  }
0xbb: {  	[tilespmem:s0], [sflag:$0x1] =	stream.linear.gather [hbm4b:s2+s3], $0x80, $0x38;
	[tilespmem:$0x10600] =	vst v63  }
0xbc: {  	s0 =	sadd.s32 $0xD80, s18;
	s2 =	sadd.s32 s4, s5  }
0xbd: {  	[tilespmem:s0], [sflag:$0x1] =	stream.linear.gather [hbm4b:s2+s3], $0x80, $0x38;
	[tilespmem:$0x10600] =	vst v63  }
0xbe: {  	v0 =	vld [tilespmem:s19+$0x0];
	_ =	sdelay $0x4  }
0xbf: {  	v0 =	vshll.u32 v0, $0x4  }
0xc0: {  	(v2sf) =	vpush v0, $0x0  }
0xc1: {  	(v2sf) =	vpush v0, $0x1  }
0xc2: {  	(v2sf) =	vpush v0, $0x2;
	_ =	sdelay $0x1  }
0xc3: {  	(v2sf) =	vpush v0, $0x4  }
.Ltmp2:
0xc4: {  	(pc) =	sbr.rel @p0 .LBB2_6-.Ltmp2, $3  }
0xc5: {  	(v2sf) =	vpush v0, $0x3  }
0xc6: {  	(v2sf) =	vpush v0, $0x5;
	_ =	sdelay $0x1  }
0xc7: {  	s18 =	sshra.s32 s21, $0x2;
	(v2sf) =	vpush v0, $0x6  }
0xc8: {  	_ =	sdelay $0x1  }
0xc9: {  	s0 =	sadd.s32 $0x680, s18;
	s21 =	sadd.s32 $0xB80, s18  }
0xca: {  	s2 =	sadd.s32 $0x980, s18;
	s19 =	sadd.s32 $0xC00, s18;
	(v2sf) =	vpush v0, $0x7;
	s5 =	sadd.s32 $0x880, s18  }
0xcb: {  	s6 =	sadd.s32 $0xA00, s18;
	s20 =	sadd.s32 $0xC80, s18;
	s7 =	sadd.s32 $0x600, s18  }
0xcc: {  	s13 =	sadd.s32 $0x800, s18;
	s14 =	sadd.s32 $0x900, s18;
	(v2sf) =	vpush v0, $0x8;
	s22 =	spop (v2sf)  }
0xcd: {  	s23 =	sadd.s32 $0x700, s18;
	s22 =	sand.u32 $0x1FFFFFF0, s22;
	s24 =	spop (v2sf)  }
0xce: {  	(v2sf) =	vpush v0, $0x9;
	s22 =	sadd.s32 s4, s22;
	s24 =	sand.u32 $0x1FFFFFF0, s24;
	s25 =	spop (v2sf)  }
0xcf: {  	[tilespmem:s7], [sflag:$0x1] =	stream.linear.gather [hbm4b:s22+s3], $0x80, $0x38;
	[tilespmem:$0x10600] =	vst v63  }
0xd0: {  	(v2sf) =	vpush v0, $0xA;
	s26 =	sadd.s32 s4, s24;
	s29 =	sand.u32 $0x1FFFFFF0, s25;
	s28 =	spop (v2sf)  }
0xd1: {  	[tilespmem:s0], [sflag:$0x1] =	stream.linear.gather [hbm4b:s26+s3], $0x80, $0x38;
	[tilespmem:$0x10600] =	vst v63  }
0xd2: {  	s7 =	sadd.s32 $0xB00, s18;
	(v2sf) =	vpush v0, $0xB;
	s22 =	sadd.s32 s4, s29;
	s30 =	spop (v2sf)  }
0xd3: {  	s0 =	sadd.s32 $0xA80, s18;
	s26 =	sadd.s32 $0x780, s18;
	s25 =	sand.u32 $0x1FFFFFF0, s30  }
0xd4: {  	(v2sf) =	vpush v0, $0xC;
	[tilespmem:s23], [sflag:$0x1] =	stream.linear.gather [hbm4b:s22+s3], $0x80, $0x38;
	[tilespmem:$0x10600] =	vst v63  }
0xd5: {  	s31 =	sand.u32 $0x1FFFFFF0, s28;
	s28 =	spop (v2sf);
	s29 =	sadd.s32 s4, s25  }
0xd6: {  	(v2sf) =	vpush v0, $0xD;
	[tilespmem:s26], [sflag:$0x1] =	stream.linear.gather [hbm4b:s29+s3], $0x80, $0x38;
	[tilespmem:$0x10600] =	vst v63  }
0xd7: {  	s22 =	sadd.s32 s4, s31;
	s23 =	sand.u32 $0x1FFFFFF0, s28;
	s30 =	spop (v2sf)  }
0xd8: {  	(v2sf) =	vpush v0, $0xE;
	[tilespmem:s13], [sflag:$0x1] =	stream.linear.gather [hbm4b:s22+s3], $0x80, $0x38;
	[tilespmem:$0x10600] =	vst v63  }
0xd9: {  	s23 =	sadd.s32 s4, s23;
	s31 =	sand.u32 $0x1FFFFFF0, s30;
	s24 =	spop (v2sf)  }
0xda: {  	(v2sf) =	vpush v0, $0xF;
	[tilespmem:s5], [sflag:$0x1] =	stream.linear.gather [hbm4b:s23+s3], $0x80, $0x38;
	[tilespmem:$0x10600] =	vst v63  }
0xdb: {  	s25 =	sand.u32 $0x1FFFFFF0, s24;
	s26 =	spop (v2sf);
	s13 =	sadd.s32 s4, s31  }
0xdc: {  	[tilespmem:s14], [sflag:$0x1] =	stream.linear.gather [hbm4b:s13+s3], $0x80, $0x38;
	[tilespmem:$0x10600] =	vst v63  }
0xdd: {  	s28 =	sand.u32 $0x1FFFFFF0, s26;
	s5 =	sadd.s32 s4, s25;
	s29 =	spop (v2sf)  }
0xde: {  	[tilespmem:s2], [sflag:$0x1] =	stream.linear.gather [hbm4b:s5+s3], $0x80, $0x38;
	[tilespmem:$0x10600] =	vst v63  }
0xdf: {  	s13 =	sadd.s32 s4, s28;
	s30 =	sand.u32 $0x1FFFFFF0, s29;
	s31 =	spop (v2sf)  }
0xe0: {  	[tilespmem:s6], [sflag:$0x1] =	stream.linear.gather [hbm4b:s13+s3], $0x80, $0x38;
	[tilespmem:$0x10600] =	vst v63  }
0xe1: {  	s5 =	sand.u32 $0x1FFFFFF0, s31;
	s2 =	sadd.s32 s4, s30;
	s13 =	spop (v2sf)  }
0xe2: {  	[tilespmem:s0], [sflag:$0x1] =	stream.linear.gather [hbm4b:s2+s3], $0x80, $0x38;
	[tilespmem:$0x10600] =	vst v63  }
0xe3: {  	s5 =	sadd.s32 s4, s5;
	s14 =	sand.u32 $0x1FFFFFF0, s13;
	s22 =	spop (v2sf)  }
0xe4: {  	[tilespmem:s7], [sflag:$0x1] =	stream.linear.gather [hbm4b:s5+s3], $0x80, $0x38;
	[tilespmem:$0x10600] =	vst v63  }
0xe5: {  	s0 =	sadd.s32 s4, s14;
	s2 =	sand.u32 $0x1FFFFFF0, s22;
	s23 =	spop (v2sf)  }
0xe6: {  	[tilespmem:s21], [sflag:$0x1] =	stream.linear.gather [hbm4b:s0+s3], $0x80, $0x38;
	[tilespmem:$0x10600] =	vst v63  }
0xe7: {  	s24 =	sand.u32 $0x1FFFFFF0, s23;
	s2 =	sadd.s32 s4, s2;
	s25 =	spop (v2sf)  }
0xe8: {  	[tilespmem:s19], [sflag:$0x1] =	stream.linear.gather [hbm4b:s2+s3], $0x80, $0x38;
	[tilespmem:$0x10600] =	vst v63  }
0xe9: {  	s26 =	sand.u32 $0x1FFFFFF0, s25;
	s28 =	spop (v2sf);
	s0 =	sadd.s32 s4, s24  }
0xea: {  	[tilespmem:s20], [sflag:$0x1] =	stream.linear.gather [hbm4b:s0+s3], $0x80, $0x38;
	[tilespmem:$0x10600] =	vst v63  }
0xeb: {  	s30 =	sadd.s32 $0xD00, s18;
	s29 =	sand.u32 $0x1FFFFFF0, s28;
	s2 =	sadd.s32 s4, s26  }
0xec: {  	[tilespmem:s30], [sflag:$0x1] =	stream.linear.gather [hbm4b:s2+s3], $0x80, $0x38;
	[tilespmem:$0x10600] =	vst v63  }
0xed: {  	s31 =	sadd.s32 $0xD80, s18;
	s0 =	sadd.s32 s4, s29  }
0xee: {  	[tilespmem:s31], [sflag:$0x1] =	stream.linear.gather [hbm4b:s0+s3], $0x80, $0x38;
	[tilespmem:$0x10600] =	vst v63  }
0xef: {  	_ =	swait.ge [sflag:s15], $0x80  }
0xf0: {  	s18 =	simm.s32 $0x1FF;
	[sflag:s15] =	ssyncset.done $0x0  }
.LBB2_8:
0xf1: {  	p0 =	sne.s32 s18, $0x1;
	s18 =	sadd.s32 $0xFFFFFFFF, s18;
	[sflag:s15] =	ssyncadd.s32 $0xFFFFFF80  }
.Ltmp3:
0xf2: {  	(pc) =	sbr.rel @p0 .LBB2_8-.Ltmp3, $3  }
0xf3: {  	_ =	sdelay $0x1  }
0xf4: {  	_ =	swait.ge [sflag:s15], $0x80  }
0xf5: {  	[sflag:s15] =	ssyncset.done $0x0  }
0xf6: {  	[sflag:s15] =	ssyncadd.s32 $0xFFFFFF80;
	s0 =	simm.s32 $0x0  }
0xf7: {  	[hbm4b:s9+s0] =	stream.linear.scatter [tilespmem:s16], [sflag:$0x2], $0x10000, $0x38;
	[tilespmem:$0x10600] =	vst v63  }
0xf8: {  	_ =	swait.ge [sflag:s12], $0x10000  }
0xf9: {  	[sflag:s12] =	ssyncset.done $0x0  }
0xfa: {  	s19 =	simm.s32 $0x400;
	[sflag:s12] =	ssyncadd.s32 $0xFFFF0000  }
0xfb: {  	v0 =	vld [tilespmem:s19+$0x0];
	_ =	sdelay $0x4  }
0xfc: {  	v0 =	vshll.u32 v0, $0x4  }
0xfd: {  	(v2sf) =	vpush v0, $0x0  }
0xfe: {  	(v2sf) =	vpush v0, $0x1  }
0xff: {  	(v2sf) =	vpush v0, $0x2;
	_ =	sdelay $0x1  }
0x100: {  	(v2sf) =	vpush v0, $0x4;
	_ =	sdelay $0x1  }
0x101: {  	(v2sf) =	vpush v0, $0x3  }
0x102: {  	(v2sf) =	vpush v0, $0x5  }
0x103: {  	s20 =	simm.s32 $0x2000;
	s18 =	simm.s32 $0x0;
	(v2sf) =	vpush v0, $0x6  }
.LBB2_10:
0x104: {  	p0 =	sne.s32 s20, $0x3E000  }
0x105: {  	s0 =	sadd.s32 $0x680, s18;
	s24 =	sadd.s32 $0xB80, s18;
	s21 =	smov.u32 s20  }
0x106: {  	s20 =	sadd.s32 $0x2000, s20;
	s28 =	sadd.s32 $0x980, s18;
	s22 =	sadd.s32 $0xC00, s18;
	(v2sf) =	vpush v0, $0x7  }
0x107: {  	s30 =	sadd.s32 $0x880, s18;
	s26 =	sadd.s32 $0xA00, s18;
	s23 =	sadd.s32 $0xC80, s18  }
0x108: {  	s2 =	sadd.s32 $0x600, s18;
	s5 =	sadd.s32 $0x800, s18;
	(v2sf) =	vpush v0, $0x8  }
0x109: {  	s6 =	sadd.s32 $0x900, s18;
	s19 =	sadd.s32 $0x10, s19  }
0x10a: {  	s7 =	sadd.s32 $0x700, s18;
	s25 =	sadd.s32 $0xB00, s18;
	s13 =	spop (v2sf);
	(v2sf) =	vpush v0, $0x9  }
0x10b: {  	s29 =	sadd.s32 $0xA80, s18;
	s13 =	sand.u32 $0x1FFFFFF0, s13;
	s14 =	spop (v2sf)  }
0x10c: {  	s13 =	sadd.s32 s1, s13;
	s14 =	sand.u32 $0x1FFFFFF0, s14;
	s31 =	spop (v2sf);
	(v2sf) =	vpush v0, $0xA  }
0x10d: {  	[tilespmem:s2], [sflag:$0x1] =	stream.linear.gather [hbm4b:s13+s3], $0x80, $0x38;
	[tilespmem:$0x10600] =	vst v63  }
0x10e: {  	s2 =	sadd.s32 s1, s14;
	s13 =	sadd.s32 $0x780, s18;
	s14 =	spop (v2sf);
	(v2sf) =	vpush v0, $0xB  }
0x10f: {  	[tilespmem:s0], [sflag:$0x1] =	stream.linear.gather [hbm4b:s2+s3], $0x80, $0x38;
	[tilespmem:$0x10600] =	vst v63  }
0x110: {  	s0 =	sand.u32 $0x1FFFFFF0, s31;
	s2 =	sand.u32 $0x1FFFFFF0, s14;
	s14 =	spop (v2sf);
	(v2sf) =	vpush v0, $0xC  }
0x111: {  	s0 =	sadd.s32 s1, s0;
	s14 =	sand.u32 $0x1FFFFFF0, s14;
	s31 =	spop (v2sf)  }
0x112: {  	[tilespmem:s7], [sflag:$0x1] =	stream.linear.gather [hbm4b:s0+s3], $0x80, $0x38;
	(v2sf) =	vpush v0, $0xD;
	[tilespmem:$0x10600] =	vst v63  }
0x113: {  	s0 =	sadd.s32 s1, s14;
	s7 =	sand.u32 $0x1FFFFFF0, s31;
	s14 =	spop (v2sf)  }
0x114: {  	[tilespmem:s13], [sflag:$0x1] =	stream.linear.gather [hbm4b:s0+s3], $0x80, $0x38;
	(v2sf) =	vpush v0, $0xE;
	[tilespmem:$0x10600] =	vst v63  }
0x115: {  	s0 =	sadd.s32 s1, s2;
	s2 =	sand.u32 $0x1FFFFFF0, s14;
	s13 =	spop (v2sf)  }
0x116: {  	[tilespmem:s5], [sflag:$0x1] =	stream.linear.gather [hbm4b:s0+s3], $0x80, $0x38;
	(v2sf) =	vpush v0, $0xF;
	[tilespmem:$0x10600] =	vst v63  }
0x117: {  	s0 =	sadd.s32 s1, s7;
	s5 =	sand.u32 $0x1FFFFFF0, s13;
	s7 =	spop (v2sf)  }
0x118: {  	[tilespmem:s30], [sflag:$0x1] =	stream.linear.gather [hbm4b:s0+s3], $0x80, $0x38;
	[tilespmem:$0x10600] =	vst v63  }
0x119: {  	s0 =	sadd.s32 s1, s2;
	s2 =	sand.u32 $0x1FFFFFF0, s7;
	s7 =	spop (v2sf)  }
0x11a: {  	[tilespmem:s6], [sflag:$0x1] =	stream.linear.gather [hbm4b:s0+s3], $0x80, $0x38;
	[tilespmem:$0x10600] =	vst v63  }
0x11b: {  	s0 =	sadd.s32 s1, s5;
	s5 =	sand.u32 $0x1FFFFFF0, s7;
	s6 =	spop (v2sf)  }
0x11c: {  	[tilespmem:s28], [sflag:$0x1] =	stream.linear.gather [hbm4b:s0+s3], $0x80, $0x38;
	[tilespmem:$0x10600] =	vst v63  }
0x11d: {  	s0 =	sadd.s32 s1, s2;
	s2 =	sand.u32 $0x1FFFFFF0, s6;
	s6 =	spop (v2sf)  }
0x11e: {  	[tilespmem:s26], [sflag:$0x1] =	stream.linear.gather [hbm4b:s0+s3], $0x80, $0x38;
	[tilespmem:$0x10600] =	vst v63  }
0x11f: {  	s0 =	sadd.s32 s1, s5;
	s5 =	sand.u32 $0x1FFFFFF0, s6;
	s6 =	spop (v2sf)  }
0x120: {  	[tilespmem:s29], [sflag:$0x1] =	stream.linear.gather [hbm4b:s0+s3], $0x80, $0x38;
	[tilespmem:$0x10600] =	vst v63  }
0x121: {  	s0 =	sadd.s32 s1, s2;
	s2 =	sand.u32 $0x1FFFFFF0, s6;
	s6 =	spop (v2sf)  }
0x122: {  	[tilespmem:s25], [sflag:$0x1] =	stream.linear.gather [hbm4b:s0+s3], $0x80, $0x38;
	[tilespmem:$0x10600] =	vst v63  }
0x123: {  	s0 =	sadd.s32 s1, s5;
	s5 =	sand.u32 $0x1FFFFFF0, s6;
	s6 =	spop (v2sf)  }
0x124: {  	[tilespmem:s24], [sflag:$0x1] =	stream.linear.gather [hbm4b:s0+s3], $0x80, $0x38;
	[tilespmem:$0x10600] =	vst v63  }
0x125: {  	s0 =	sadd.s32 s1, s2;
	s2 =	sand.u32 $0x1FFFFFF0, s6;
	s6 =	spop (v2sf)  }
0x126: {  	[tilespmem:s22], [sflag:$0x1] =	stream.linear.gather [hbm4b:s0+s3], $0x80, $0x38;
	[tilespmem:$0x10600] =	vst v63  }
0x127: {  	s0 =	sadd.s32 s1, s5;
	s5 =	sand.u32 $0x1FFFFFF0, s6  }
0x128: {  	[tilespmem:s23], [sflag:$0x1] =	stream.linear.gather [hbm4b:s0+s3], $0x80, $0x38;
	[tilespmem:$0x10600] =	vst v63  }
0x129: {  	s2 =	sadd.s32 s1, s2;
	s0 =	sadd.s32 $0xD00, s18  }
0x12a: {  	[tilespmem:s0], [sflag:$0x1] =	stream.linear.gather [hbm4b:s2+s3], $0x80, $0x38;
	[tilespmem:$0x10600] =	vst v63  }
0x12b: {  	s0 =	sadd.s32 $0xD80, s18;
	s2 =	sadd.s32 s1, s5  }
0x12c: {  	[tilespmem:s0], [sflag:$0x1] =	stream.linear.gather [hbm4b:s2+s3], $0x80, $0x38;
	[tilespmem:$0x10600] =	vst v63  }
0x12d: {  	v0 =	vld [tilespmem:s19+$0x0];
	_ =	sdelay $0x4  }
0x12e: {  	v0 =	vshll.u32 v0, $0x4  }
0x12f: {  	(v2sf) =	vpush v0, $0x0  }
0x130: {  	(v2sf) =	vpush v0, $0x1  }
0x131: {  	(v2sf) =	vpush v0, $0x2;
	_ =	sdelay $0x1  }
0x132: {  	(v2sf) =	vpush v0, $0x4  }
.Ltmp4:
0x133: {  	(pc) =	sbr.rel @p0 .LBB2_10-.Ltmp4, $3  }
0x134: {  	(v2sf) =	vpush v0, $0x3  }
0x135: {  	(v2sf) =	vpush v0, $0x5;
	_ =	sdelay $0x1  }
0x136: {  	s18 =	sshra.s32 s21, $0x2;
	(v2sf) =	vpush v0, $0x6  }
0x137: {  	_ =	sdelay $0x1  }
0x138: {  	s0 =	sadd.s32 $0x680, s18;
	s21 =	sadd.s32 $0xB80, s18  }
0x139: {  	s2 =	sadd.s32 $0x980, s18;
	s19 =	sadd.s32 $0xC00, s18;
	(v2sf) =	vpush v0, $0x7;
	s5 =	sadd.s32 $0x880, s18  }
0x13a: {  	s6 =	sadd.s32 $0xA00, s18;
	s20 =	sadd.s32 $0xC80, s18;
	s7 =	sadd.s32 $0x600, s18  }
0x13b: {  	s13 =	sadd.s32 $0x800, s18;
	s14 =	sadd.s32 $0x900, s18;
	(v2sf) =	vpush v0, $0x8;
	s22 =	spop (v2sf)  }
0x13c: {  	s23 =	sadd.s32 $0x700, s18;
	s22 =	sand.u32 $0x1FFFFFF0, s22;
	s24 =	spop (v2sf)  }
0x13d: {  	(v2sf) =	vpush v0, $0x9;
	s22 =	sadd.s32 s1, s22;
	s24 =	sand.u32 $0x1FFFFFF0, s24;
	s25 =	spop (v2sf)  }
0x13e: {  	[tilespmem:s7], [sflag:$0x1] =	stream.linear.gather [hbm4b:s22+s3], $0x80, $0x38;
	[tilespmem:$0x10600] =	vst v63  }
0x13f: {  	(v2sf) =	vpush v0, $0xA;
	s26 =	sadd.s32 s1, s24;
	s29 =	sand.u32 $0x1FFFFFF0, s25;
	s28 =	spop (v2sf)  }
0x140: {  	[tilespmem:s0], [sflag:$0x1] =	stream.linear.gather [hbm4b:s26+s3], $0x80, $0x38;
	[tilespmem:$0x10600] =	vst v63  }
0x141: {  	s7 =	sadd.s32 $0xB00, s18;
	(v2sf) =	vpush v0, $0xB;
	s22 =	sadd.s32 s1, s29;
	s30 =	spop (v2sf)  }
0x142: {  	s0 =	sadd.s32 $0xA80, s18;
	s26 =	sadd.s32 $0x780, s18;
	s25 =	sand.u32 $0x1FFFFFF0, s30  }
0x143: {  	(v2sf) =	vpush v0, $0xC;
	[tilespmem:s23], [sflag:$0x1] =	stream.linear.gather [hbm4b:s22+s3], $0x80, $0x38;
	[tilespmem:$0x10600] =	vst v63  }
0x144: {  	s31 =	sand.u32 $0x1FFFFFF0, s28;
	s28 =	spop (v2sf);
	s29 =	sadd.s32 s1, s25  }
0x145: {  	(v2sf) =	vpush v0, $0xD;
	[tilespmem:s26], [sflag:$0x1] =	stream.linear.gather [hbm4b:s29+s3], $0x80, $0x38;
	[tilespmem:$0x10600] =	vst v63  }
0x146: {  	s22 =	sadd.s32 s1, s31;
	s23 =	sand.u32 $0x1FFFFFF0, s28;
	s30 =	spop (v2sf)  }
0x147: {  	(v2sf) =	vpush v0, $0xE;
	[tilespmem:s13], [sflag:$0x1] =	stream.linear.gather [hbm4b:s22+s3], $0x80, $0x38;
	[tilespmem:$0x10600] =	vst v63  }
0x148: {  	s23 =	sadd.s32 s1, s23;
	s31 =	sand.u32 $0x1FFFFFF0, s30;
	s24 =	spop (v2sf)  }
0x149: {  	(v2sf) =	vpush v0, $0xF;
	[tilespmem:s5], [sflag:$0x1] =	stream.linear.gather [hbm4b:s23+s3], $0x80, $0x38;
	[tilespmem:$0x10600] =	vst v63  }
0x14a: {  	s25 =	sand.u32 $0x1FFFFFF0, s24;
	s26 =	spop (v2sf);
	s13 =	sadd.s32 s1, s31  }
0x14b: {  	[tilespmem:s14], [sflag:$0x1] =	stream.linear.gather [hbm4b:s13+s3], $0x80, $0x38;
	[tilespmem:$0x10600] =	vst v63  }
0x14c: {  	s28 =	sand.u32 $0x1FFFFFF0, s26;
	s5 =	sadd.s32 s1, s25;
	s29 =	spop (v2sf)  }
0x14d: {  	[tilespmem:s2], [sflag:$0x1] =	stream.linear.gather [hbm4b:s5+s3], $0x80, $0x38;
	[tilespmem:$0x10600] =	vst v63  }
0x14e: {  	s13 =	sadd.s32 s1, s28;
	s30 =	sand.u32 $0x1FFFFFF0, s29;
	s31 =	spop (v2sf)  }
0x14f: {  	[tilespmem:s6], [sflag:$0x1] =	stream.linear.gather [hbm4b:s13+s3], $0x80, $0x38;
	[tilespmem:$0x10600] =	vst v63  }
0x150: {  	s5 =	sand.u32 $0x1FFFFFF0, s31;
	s2 =	sadd.s32 s1, s30;
	s13 =	spop (v2sf)  }
0x151: {  	[tilespmem:s0], [sflag:$0x1] =	stream.linear.gather [hbm4b:s2+s3], $0x80, $0x38;
	[tilespmem:$0x10600] =	vst v63  }
0x152: {  	s5 =	sadd.s32 s1, s5;
	s14 =	sand.u32 $0x1FFFFFF0, s13;
	s22 =	spop (v2sf)  }
0x153: {  	[tilespmem:s7], [sflag:$0x1] =	stream.linear.gather [hbm4b:s5+s3], $0x80, $0x38;
	[tilespmem:$0x10600] =	vst v63  }
0x154: {  	s0 =	sadd.s32 s1, s14;
	s2 =	sand.u32 $0x1FFFFFF0, s22;
	s23 =	spop (v2sf)  }
0x155: {  	[tilespmem:s21], [sflag:$0x1] =	stream.linear.gather [hbm4b:s0+s3], $0x80, $0x38;
	[tilespmem:$0x10600] =	vst v63  }
0x156: {  	s24 =	sand.u32 $0x1FFFFFF0, s23;
	s2 =	sadd.s32 s1, s2;
	s25 =	spop (v2sf)  }
0x157: {  	[tilespmem:s19], [sflag:$0x1] =	stream.linear.gather [hbm4b:s2+s3], $0x80, $0x38;
	[tilespmem:$0x10600] =	vst v63  }
0x158: {  	s26 =	sand.u32 $0x1FFFFFF0, s25;
	s28 =	spop (v2sf);
	s0 =	sadd.s32 s1, s24  }
0x159: {  	[tilespmem:s20], [sflag:$0x1] =	stream.linear.gather [hbm4b:s0+s3], $0x80, $0x38;
	[tilespmem:$0x10600] =	vst v63  }
0x15a: {  	s30 =	sadd.s32 $0xD00, s18;
	s29 =	sand.u32 $0x1FFFFFF0, s28;
	s2 =	sadd.s32 s1, s26  }
0x15b: {  	[tilespmem:s30], [sflag:$0x1] =	stream.linear.gather [hbm4b:s2+s3], $0x80, $0x38;
	[tilespmem:$0x10600] =	vst v63  }
0x15c: {  	s31 =	sadd.s32 $0xD80, s18;
	s0 =	sadd.s32 s1, s29  }
0x15d: {  	[tilespmem:s31], [sflag:$0x1] =	stream.linear.gather [hbm4b:s0+s3], $0x80, $0x38;
	[tilespmem:$0x10600] =	vst v63  }
0x15e: {  	_ =	swait.ge [sflag:s15], $0x80  }
0x15f: {  	s18 =	simm.s32 $0x1FF;
	[sflag:s15] =	ssyncset.done $0x0  }
.LBB2_12:
0x160: {  	p0 =	sne.s32 s18, $0x1;
	s18 =	sadd.s32 $0xFFFFFFFF, s18;
	[sflag:s15] =	ssyncadd.s32 $0xFFFFFF80  }
.Ltmp5:
0x161: {  	(pc) =	sbr.rel @p0 .LBB2_12-.Ltmp5, $3  }
0x162: {  	_ =	sdelay $0x1  }
0x163: {  	_ =	swait.ge [sflag:s15], $0x80  }
0x164: {  	[sflag:s15] =	ssyncset.done $0x0  }
0x165: {  	s17 =	sadd.s32 $0x1, s17  }
0x166: {  	p0 =	sne.s32 s17, s11  }
.Ltmp6:
0x167: {  	[sflag:s15] =	ssyncadd.s32 $0xFFFFFF80;
	(pc) =	sbr.rel @p0 .LBB2_1-.Ltmp6, $4  }
0x168: {  	[hbm4b:s10+s3] =	stream.linear.scatter [tilespmem:s16], [sflag:$0x2], $0x10000, $0x38;
	[tilespmem:$0x10600] =	vst v63  }
0x169: {  	_ =	swait.ge [sflag:s12], $0x10000  }
0x16a: {  	[sflag:s12] =	ssyncset.done $0x0  }
0x16b: {  	[sflag:s12] =	ssyncadd.s32 $0xFFFF0000  }
0x16c: {  	_ =	sfence.sel $0x180000  }
0x16d: {  	[bflag:$0x0] =	sbarrier.arrive $0xFFFF  }
0x16e: {  	_ =	strace $0x90000047  }
0x16f: {  	s0 =	stileid.u32;
	[bflag:$0x2] =	sbarrier.arrive $0xFFFF  }
0x170: {  	p0 =	sne.s32 s0, $0x0;
	s0 =	rddreg [dreg:$0x5]  }
0x171: {  	s0 =	sadd.s32 @!p0 $0x100000, s0  }
0x172: {  	[sflag:s0] =	ssyncadd.tile.s32 @!p0 $0x1;
	_ =	shalt  }
.Lfunc_end2:
_tile_overlayer_lowered:
.L_overlay_start_2:
0x173: {  	(tag) =	ssettag $0x2  }
0x174: {  	s0 =	rddreg [dreg:$0x0];
	s2 =	stileid.u32  }
0x175: {  	s1 =	rddreg [dreg:$0x1];
	p0 =	sne.s32 s2, $0x0  }
0x176: {  	s3 =	rddreg [dreg:$0x2];
	[bflag:$0x3] =	sbarrier.arrive $0xFFFF;
	s2 =	simm.s32 @!p0 $0x1C02  }
0x177: {  	[timem:s3], [sflag:s2] =	dma.local @!p0 [hbm:s0], s1  }
0x178: {  	s0 =	simm.s32 @!p0 $0x2  }
0x179: {  	_ =	swait.ge @!p0 [sflag:s0], s1  }
0x17a: {  	s1 =	ssub.s32 @!p0 $0x0, s1;
	[sflag:s0] =	ssyncset.done @!p0 $0x0  }
0x17b: {  	[sflag:s0] =	ssyncadd.s32 @!p0 s1  }
0x17c: {  	[bflag:$0x3] =	sbarrier.arrive $0xFFFF  }
0x17d: {  	_ =	shalt  }

</sc_bundles>
